<compile_context>
chip_gen: v7x
topology: tpu7x:2x2x1
jax: 0.10.2.dev20260603
libtpu: 0.0.44.dev20260713+nightly
codegen_flags: <defaults>
</compile_context>

<pallas_src>
import functools

import jax
import jax.numpy as jnp
from jax import lax
from jax.experimental import pallas as pl
from jax.experimental.pallas import tpu as pltpu
from jax.experimental.pallas import tpu_sc as plsc

N = 10000
D = 128
E = 320000
HID = 128

NC = 2
NS = 16
NW = NC * NS
CH = 128
EP = 323584
RIDX = EP // CH
RW = RIDX // NW
NPAD = 10240
ZROWS = NPAD // NS

_mesh = plsc.VectorSubcoreMesh(core_axis_name="c", subcore_axis_name="s")



@functools.partial(
    pl.kernel,
    out_type=jax.ShapeDtypeStruct((NC, NPAD, D), jnp.float32),
    mesh=_mesh,
    scratch_types=[
        pltpu.VMEM((CH,), jnp.int32),
        pltpu.VMEM((CH,), jnp.int32),
        pltpu.VMEM((CH, D), jnp.float32),
        pltpu.VMEM_SHARED((NPAD, D), jnp.float32),
        pltpu.SemaphoreType.DMA,
    ],
)
def _segsum_sc(table_h, src_h, dst_h, out_h, sidx, didx, rows, acc, sem):
    c = lax.axis_index("c")
    s = lax.axis_index("s")
    wid = s * NC + c

    zv = jnp.zeros((16,), jnp.float32)

    def zbody(i, _):
        for j in range(D // 16):
            rows[i, pl.ds(j * 16, 16)] = zv
        return 0

    lax.fori_loop(0, CH, zbody, 0)
    for j in range(ZROWS // CH):
        pltpu.sync_copy(rows, acc.at[pl.ds(s * ZROWS + j * CH, CH)])
    plsc.subcore_barrier()

    def ebody(i, _):
        r = wid * RW + i
        pltpu.sync_copy(src_h.at[r], sidx)
        pltpu.sync_copy(dst_h.at[r], didx)
        pltpu.async_copy(table_h.at[sidx], rows, sem).wait()
        pltpu.sync_copy(rows, acc.at[didx], add=True)
        return 0

    lax.fori_loop(0, RW, ebody, 0)
    plsc.subcore_barrier()

    for j in range(ZROWS // CH):
        base = s * ZROWS + j * CH
        pltpu.sync_copy(acc.at[pl.ds(base, CH)], rows)
        pltpu.sync_copy(rows, out_h.at[c, pl.ds(base, CH)])


@functools.partial(
    pl.kernel,
    out_type=jax.ShapeDtypeStruct((EP, D), jnp.float32),
    mesh=_mesh,
    scratch_types=[
        pltpu.VMEM((CH,), jnp.int32),
        pltpu.VMEM((CH,), jnp.int32),
        pltpu.VMEM((CH, D), jnp.float32),
        pltpu.VMEM((CH, D), jnp.float32),
        pltpu.SemaphoreType.DMA,
        pltpu.SemaphoreType.DMA,
    ],
)
def _edge_emb_sc(table_h, src_h, dst_h, out_h, sidx, didx, ra, rb, sa, sb):
    c = lax.axis_index("c")
    s = lax.axis_index("s")
    wid = s * NC + c

    def ebody(i, _):
        r = wid * RW + i
        pltpu.sync_copy(src_h.at[r], sidx)
        pltpu.sync_copy(dst_h.at[r], didx)
        cpa = pltpu.async_copy(table_h.at[sidx], ra, sa)
        cpb = pltpu.async_copy(table_h.at[didx], rb, sb)
        cpa.wait()
        cpb.wait()

        def abody(k, _):
            for j in range(D // 16):
                sl = pl.ds(j * 16, 16)
                ra[k, sl] = ra[k, sl] + rb[k, sl]
            return 0

        lax.fori_loop(0, CH, abody, 0)
        pltpu.sync_copy(ra, out_h.at[pl.ds(r * CH, CH)])
        return 0

    lax.fori_loop(0, RW, ebody, 0)



def _lin1_body(x_ref, w_ref, o_ref):
    o_ref[...] = lax.dot_general(
        x_ref[...], w_ref[...], (((1,), (1,)), ((), ())),
        preferred_element_type=jnp.float32)


def _lin1(x, w):
    return pl.pallas_call(
        _lin1_body,
        grid=(5,),
        in_specs=[
            pl.BlockSpec((NPAD // 5, D), lambda i: (i, 0)),
            pl.BlockSpec((HID, D), lambda i: (0, 0)),
        ],
        out_specs=pl.BlockSpec((NPAD // 5, HID), lambda i: (i, 0)),
        out_shape=jax.ShapeDtypeStruct((NPAD, HID), jnp.float32),
    )(x, w)


def _conv_mid_body(xl_ref, p0_ref, p1_ref, b_ref, w_ref, o_ref):
    t = 0.5 * xl_ref[...] - (p0_ref[...] + p1_ref[...]) + b_ref[...]
    h1 = jnp.where(t > 0, t, jnp.exp(jnp.minimum(t, 0.0)) - 1.0)
    o_ref[...] = lax.dot_general(
        h1, w_ref[...], (((1,), (1,)), ((), ())),
        preferred_element_type=jnp.float32)


def _conv_mid(xl, parts, b1, w2):
    return pl.pallas_call(
        _conv_mid_body,
        grid=(5,),
        in_specs=[
            pl.BlockSpec((NPAD // 5, HID), lambda i: (i, 0)),
            pl.BlockSpec((NPAD // 5, HID), lambda i: (i, 0)),
            pl.BlockSpec((NPAD // 5, HID), lambda i: (i, 0)),
            pl.BlockSpec((1, HID), lambda i: (0, 0)),
            pl.BlockSpec((HID, HID), lambda i: (0, 0)),
        ],
        out_specs=pl.BlockSpec((NPAD // 5, HID), lambda i: (i, 0)),
        out_shape=jax.ShapeDtypeStruct((NPAD, HID), jnp.float32),
    )(xl, parts[0], parts[1], b1.reshape(1, HID), w2)


def _conv_out_body(hl_ref, p0_ref, p1_ref, b_ref, o_ref):
    o_ref[...] = 0.5 * hl_ref[...] - (p0_ref[...] + p1_ref[...]) + b_ref[...]


def _conv_out(hl, parts, b2):
    return pl.pallas_call(
        _conv_out_body,
        grid=(5,),
        in_specs=[
            pl.BlockSpec((NPAD // 5, HID), lambda i: (i, 0)),
            pl.BlockSpec((NPAD // 5, HID), lambda i: (i, 0)),
            pl.BlockSpec((NPAD // 5, HID), lambda i: (i, 0)),
            pl.BlockSpec((1, HID), lambda i: (0, 0)),
        ],
        out_specs=pl.BlockSpec((NPAD // 5, HID), lambda i: (i, 0)),
        out_shape=jax.ShapeDtypeStruct((NPAD, HID), jnp.float32),
    )(hl, parts[0], parts[1], b2.reshape(1, HID))


def _mlp_body(ee_ref, wa_ref, ba_ref, wb_ref, bb_ref, o_ref):
    h = lax.dot_general(
        ee_ref[...], wa_ref[...], (((1,), (1,)), ((), ())),
        preferred_element_type=jnp.float32)
    h = jnp.maximum(h + ba_ref[...], 0.0)
    logit = jnp.sum(h * wb_ref[...], axis=1, keepdims=True)
    o_ref[...] = jax.nn.sigmoid(logit + bb_ref[...])


def _edge_mlp(ee, wa, ba, wb, bb):
    blk = 2048
    return pl.pallas_call(
        _mlp_body,
        grid=(EP // blk,),
        in_specs=[
            pl.BlockSpec((blk, HID), lambda i: (i, 0)),
            pl.BlockSpec((2 * HID, HID), lambda i: (0, 0)),
            pl.BlockSpec((1, 2 * HID), lambda i: (0, 0)),
            pl.BlockSpec((1, 2 * HID), lambda i: (0, 0)),
            pl.BlockSpec((1, 1), lambda i: (0, 0)),
        ],
        out_specs=pl.BlockSpec((blk, 1), lambda i: (i, 0)),
        out_shape=jax.ShapeDtypeStruct((EP, 1), jnp.float32),
    )(ee, wa, ba.reshape(1, 2 * HID), wb.reshape(1, 2 * HID),
      bb.reshape(1, 1))



def kernel(x, edge_index, W1, b1, W2, b2, Wa, ba, Wb, bb):
    src = edge_index[0]
    dst = edge_index[1]
    pad = EP - E
    srcp = jnp.concatenate([src, jnp.zeros((pad,), jnp.int32)]).reshape(RIDX, CH)
    dstp = jnp.concatenate([dst, jnp.full((pad,), N, jnp.int32)]).reshape(RIDX, CH)

    xp = jnp.pad(x, ((0, NPAD - N), (0, 0)))
    xl = _lin1(xp, W1)
    parts1 = _segsum_sc(xl, srcp, dstp)
    hl = _conv_mid(xl, parts1, b1, W2)
    parts2 = _segsum_sc(hl, srcp, dstp)
    h = _conv_out(hl, parts2, b2)
    ee = _edge_emb_sc(h, srcp, dstp)
    ew = _edge_mlp(ee, Wa, ba, Wb, bb)
    return ew[:E, 0]

# --- scband reference (transcript-rebuilt; emitter-appended) ---
"""Pipeline reference for scband-augmenter-42339787604748 (READ-ONLY COPY).

The authoritative reference and input builder live on the scoring server;
editing this copy changes nothing except your own understanding.
"""

import jax, jax.numpy as jnp
import numpy as np

N = 10000
E = 320000
IN_DIM = 128
HID = 128
AMP = 0.5


def setup_inputs(seed: int = 0) -> dict:
    key = jax.random.key(seed)
    ks = jax.random.split(key, 10)
    x = jax.random.normal(ks[0], (N, IN_DIM), dtype=jnp.float32)
    edge_index = jax.random.randint(ks[1], (2, E), 0, N, dtype=jnp.int32)
    # HighPassConv 1: Linear(in_dim, hidden, bias=False) + bias param
    W1 = jax.random.normal(ks[2], (HID, IN_DIM), dtype=jnp.float32) * (1.0 / np.sqrt(IN_DIM))
    b1 = jnp.zeros((HID,), dtype=jnp.float32)
    # HighPassConv 2
    W2 = jax.random.normal(ks[3], (HID, HID), dtype=jnp.float32) * (1.0 / np.sqrt(HID))
    b2 = jnp.zeros((HID,), dtype=jnp.float32)
    # mlp_edge_model: Linear(hidden, hidden*2), ReLU, Linear(hidden*2, 1)
    Wa = jax.random.normal(ks[4], (HID * 2, HID), dtype=jnp.float32) * (1.0 / np.sqrt(HID))
    ba = jnp.zeros((HID * 2,), dtype=jnp.float32)
    Wb = jax.random.normal(ks[5], (1, HID * 2), dtype=jnp.float32) * (1.0 / np.sqrt(HID * 2))
    bb = jnp.zeros((1,), dtype=jnp.float32)
    return {"x": x, "edge_index": edge_index, "W1": W1, "b1": b1,
            "W2": W2, "b2": b2, "Wa": Wa, "ba": ba, "Wb": Wb, "bb": bb}


def _high_pass_conv(x, W, b, edge_index):
    x_lin = x @ W.T
    src = edge_index[0]
    dst = edge_index[1]
    # propagate with aggr='add': message x_j = x_lin[src], aggregated at dst
    msg = jnp.take(x_lin, src, axis=0)
    agg = jax.ops.segment_sum(msg, dst, num_segments=N)
    out = AMP * x_lin - agg
    out = out + b
    return out


def reference(x, edge_index, W1, b1, W2, b2, Wa, ba, Wb, bb):
    h = jax.nn.elu(_high_pass_conv(x, W1, b1, edge_index))
    h = _high_pass_conv(h, W2, b2, edge_index)
    src = edge_index[0]
    dst = edge_index[1]
    edge_emb = jnp.take(h, src, axis=0) + jnp.take(h, dst, axis=0)
    # mlp_edge_model (dropout is identity in eval mode)
    hidden = jnp.maximum(edge_emb @ Wa.T + ba, 0.0)
    logits = hidden @ Wb.T + bb
    ew = jax.nn.sigmoid(logits).reshape(-1)
    return ew

if __name__ == "__main__":
    import jax
    _d = setup_inputs()
    print(jax.jit(kernel)(*tuple(_d.values())))

</pallas_src>

<mosaic_0001>
#map = affine_map<(d0, d1) -> (0, 0)>
#map1 = affine_map<(d0, d1) -> (0, 0, 0)>
module attributes {stable_mosaic.version = 14 : i64} {
  func.func @_segsum_sc(%arg0: i32, %arg1: i32, %arg2: memref<10240x128xf32, #tpu.memory_space<hbm>>, %arg3: memref<2528x128xi32, #tpu.memory_space<hbm>>, %arg4: memref<2528x128xi32, #tpu.memory_space<hbm>>, %arg5: memref<2x10240x128xf32, #tpu.memory_space<hbm>>, %arg6: memref<128xi32, #tpu.memory_space<vmem>>, %arg7: memref<128xi32, #tpu.memory_space<vmem>>, %arg8: memref<128x128xf32, #tpu.memory_space<vmem>>, %arg9: memref<10240x128xf32, #tpu.memory_space<vmem_shared>>, %arg10: memref<!tpu.dma_semaphore, #tpu.memory_space<semaphore_mem>>) attributes {dimension_semantics = [#tpu.dimension_semantics<core_parallel>, #tpu.dimension_semantics<subcore_parallel>], iteration_bounds = array<i64: 2, 16>, scalar_prefetch = 0 : i64, scratch_operands = 5 : i64, tpu.core_type = #tpu.core_type<sc_vector_subcore>, window_params = [{transform_indices = #map}, {transform_indices = #map}, {transform_indices = #map}, {transform_indices = #map1}]} {
    %mul3A = arith.constant 2 : i32
    %mul3A_0 = arith.muli %arg1, %mul3A : i32
    %add3A = arith.addi %mul3A_0, %arg0 : i32
    %broadcast_in_dim3A = arith.constant 0.000000e+00 : f32
    %broadcast_in_dim3A_1 = vector.broadcast %broadcast_in_dim3A : f32 to vector<16xf32>
    %scan3A = arith.constant 0 : i32
    %scan3A_2 = arith.constant 0 : i32
    %scan3A_3 = arith.constant 128 : i32
    %scan3A_4 = arith.addi %scan3A_2, %scan3A_3 : i32
    %scan3A_5 = arith.constant 1 : i32
    %scan3A_6 = scf.for %scan3A_56 = %scan3A_2 to %scan3A_4 step %scan3A_5 iter_args(%scan3A_57 = %scan3A) -> (i32)  : i32 {
      %swap3A = arith.index_cast %scan3A_56 : i32 to index
      %swap3A_58 = arith.constant 0 : index
      %swap3A_59 = tpu.vector_load %arg8[%swap3A, %swap3A_58] {strides = array<i32>} : memref<128x128xf32, #tpu.memory_space<vmem>>, vector<1x16xf32>,
      %swap3A_60 = vector.shape_cast %swap3A_59 : vector<1x16xf32> to vector<16xf32>
      %swap3A_61 = vector.shape_cast %broadcast_in_dim3A_1 : vector<16xf32> to vector<1x16xf32>
      tpu.vector_store %arg8[%swap3A, %swap3A_58], %swap3A_61 {strides = array<i32>} : memref<128x128xf32, #tpu.memory_space<vmem>>, vector<1x16xf32>,
      %swap3A_62 = arith.index_cast %scan3A_56 : i32 to index
      %swap3A_63 = arith.constant 16 : index
      %swap3A_64 = tpu.vector_load %arg8[%swap3A_62, %swap3A_63] {strides = array<i32>} : memref<128x128xf32, #tpu.memory_space<vmem>>, vector<1x16xf32>,
      %swap3A_65 = vector.shape_cast %swap3A_64 : vector<1x16xf32> to vector<16xf32>
      %swap3A_66 = vector.shape_cast %broadcast_in_dim3A_1 : vector<16xf32> to vector<1x16xf32>
      tpu.vector_store %arg8[%swap3A_62, %swap3A_63], %swap3A_66 {strides = array<i32>} : memref<128x128xf32, #tpu.memory_space<vmem>>, vector<1x16xf32>,
      %swap3A_67 = arith.index_cast %scan3A_56 : i32 to index
      %swap3A_68 = arith.constant 32 : index
      %swap3A_69 = tpu.vector_load %arg8[%swap3A_67, %swap3A_68] {strides = array<i32>} : memref<128x128xf32, #tpu.memory_space<vmem>>, vector<1x16xf32>,
      %swap3A_70 = vector.shape_cast %swap3A_69 : vector<1x16xf32> to vector<16xf32>
      %swap3A_71 = vector.shape_cast %broadcast_in_dim3A_1 : vector<16xf32> to vector<1x16xf32>
      tpu.vector_store %arg8[%swap3A_67, %swap3A_68], %swap3A_71 {strides = array<i32>} : memref<128x128xf32, #tpu.memory_space<vmem>>, vector<1x16xf32>,
      %swap3A_72 = arith.index_cast %scan3A_56 : i32 to index
      %swap3A_73 = arith.constant 48 : index
      %swap3A_74 = tpu.vector_load %arg8[%swap3A_72, %swap3A_73] {strides = array<i32>} : memref<128x128xf32, #tpu.memory_space<vmem>>, vector<1x16xf32>,
      %swap3A_75 = vector.shape_cast %swap3A_74 : vector<1x16xf32> to vector<16xf32>
      %swap3A_76 = vector.shape_cast %broadcast_in_dim3A_1 : vector<16xf32> to vector<1x16xf32>
      tpu.vector_store %arg8[%swap3A_72, %swap3A_73], %swap3A_76 {strides = array<i32>} : memref<128x128xf32, #tpu.memory_space<vmem>>, vector<1x16xf32>,
      %swap3A_77 = arith.index_cast %scan3A_56 : i32 to index
      %swap3A_78 = arith.constant 64 : index
      %swap3A_79 = tpu.vector_load %arg8[%swap3A_77, %swap3A_78] {strides = array<i32>} : memref<128x128xf32, #tpu.memory_space<vmem>>, vector<1x16xf32>,
      %swap3A_80 = vector.shape_cast %swap3A_79 : vector<1x16xf32> to vector<16xf32>
      %swap3A_81 = vector.shape_cast %broadcast_in_dim3A_1 : vector<16xf32> to vector<1x16xf32>
      tpu.vector_store %arg8[%swap3A_77, %swap3A_78], %swap3A_81 {strides = array<i32>} : memref<128x128xf32, #tpu.memory_space<vmem>>, vector<1x16xf32>,
      %swap3A_82 = arith.index_cast %scan3A_56 : i32 to index
      %swap3A_83 = arith.constant 80 : index
      %swap3A_84 = tpu.vector_load %arg8[%swap3A_82, %swap3A_83] {strides = array<i32>} : memref<128x128xf32, #tpu.memory_space<vmem>>, vector<1x16xf32>,
      %swap3A_85 = vector.shape_cast %swap3A_84 : vector<1x16xf32> to vector<16xf32>
      %swap3A_86 = vector.shape_cast %broadcast_in_dim3A_1 : vector<16xf32> to vector<1x16xf32>
      tpu.vector_store %arg8[%swap3A_82, %swap3A_83], %swap3A_86 {strides = array<i32>} : memref<128x128xf32, #tpu.memory_space<vmem>>, vector<1x16xf32>,
      %swap3A_87 = arith.index_cast %scan3A_56 : i32 to index
      %swap3A_88 = arith.constant 96 : index
      %swap3A_89 = tpu.vector_load %arg8[%swap3A_87, %swap3A_88] {strides = array<i32>} : memref<128x128xf32, #tpu.memory_space<vmem>>, vector<1x16xf32>,
      %swap3A_90 = vector.shape_cast %swap3A_89 : vector<1x16xf32> to vector<16xf32>
      %swap3A_91 = vector.shape_cast %broadcast_in_dim3A_1 : vector<16xf32> to vector<1x16xf32>
      tpu.vector_store %arg8[%swap3A_87, %swap3A_88], %swap3A_91 {strides = array<i32>} : memref<128x128xf32, #tpu.memory_space<vmem>>, vector<1x16xf32>,
      %swap3A_92 = arith.index_cast %scan3A_56 : i32 to index
      %swap3A_93 = arith.constant 112 : index
      %swap3A_94 = tpu.vector_load %arg8[%swap3A_92, %swap3A_93] {strides = array<i32>} : memref<128x128xf32, #tpu.memory_space<vmem>>, vector<1x16xf32>,
      %swap3A_95 = vector.shape_cast %swap3A_94 : vector<1x16xf32> to vector<16xf32>
      %swap3A_96 = vector.shape_cast %broadcast_in_dim3A_1 : vector<16xf32> to vector<1x16xf32>
      tpu.vector_store %arg8[%swap3A_92, %swap3A_93], %swap3A_96 {strides = array<i32>} : memref<128x128xf32, #tpu.memory_space<vmem>>, vector<1x16xf32>,
      %scan3A_97 = arith.constant 0 : i32
      scf.yield %scan3A_97 : i32
    }
    %scan3A_7 = arith.constant 128 : i32
    %mul3A_8 = arith.constant 640 : i32
    %mul3A_9 = arith.muli %arg1, %mul3A_8 : i32
    %add3A_10 = arith.constant 0 : i32
    %add3A_11 = arith.addi %mul3A_9, %add3A_10 : i32
    "tpu.region"() ({
      %run_scoped3A = tpu.sem_alloc : memref<!tpu.dma_semaphore, #tpu.memory_space<semaphore_mem>>
      %dma_start3A = arith.constant 0 : i32
      %dma_start3A_56 = tpu.memref_slice %arg9[%add3A_11, %dma_start3A] : memref<10240x128xf32, #tpu.memory_space<vmem_shared>> -> memref<128x128xf32, #tpu.memory_space<vmem_shared>>
      %dma_start3A_57 = arith.constant 0 : i32
      %dma_start3A_58 = tpu.memref_slice %arg9[%add3A_11, %dma_start3A_57] : memref<10240x128xf32, #tpu.memory_space<vmem_shared>> -> memref<128x128xf32, #tpu.memory_space<vmem_shared>>
      tpu.enqueue_dma source(%arg8 : memref<128x128xf32, #tpu.memory_space<vmem>>) target(%dma_start3A_58 : memref<128x128xf32, #tpu.memory_space<vmem_shared>>) target_semaphore(%run_scoped3A : memref<!tpu.dma_semaphore, #tpu.memory_space<semaphore_mem>>)
      %dma_wait3A = arith.constant 0 : i32
      %dma_wait3A_59 = tpu.memref_slice %arg9[%add3A_11, %dma_wait3A] : memref<10240x128xf32, #tpu.memory_space<vmem_shared>> -> memref<128x128xf32, #tpu.memory_space<vmem_shared>>
      %dma_wait3A_60 = arith.constant 0 : i32
      %dma_wait3A_61 = tpu.memref_slice %arg9[%add3A_11, %dma_wait3A_60] : memref<10240x128xf32, #tpu.memory_space<vmem_shared>> -> memref<128x128xf32, #tpu.memory_space<vmem_shared>>
      tpu.wait_dma2 semaphore(%run_scoped3A : memref<!tpu.dma_semaphore, #tpu.memory_space<semaphore_mem>>) src(%arg8 : memref<128x128xf32, #tpu.memory_space<vmem>>) dst(%dma_wait3A_61 : memref<128x128xf32, #tpu.memory_space<vmem_shared>>)
      tpu.yield
    }) : () -> ()
    %mul3A_12 = arith.constant 640 : i32
    %mul3A_13 = arith.muli %arg1, %mul3A_12 : i32
    %add3A_14 = arith.constant 128 : i32
    %add3A_15 = arith.addi %mul3A_13, %add3A_14 : i32
    "tpu.region"() ({
      %run_scoped3A = tpu.sem_alloc : memref<!tpu.dma_semaphore, #tpu.memory_space<semaphore_mem>>
      %dma_start3A = arith.constant 0 : i32
      %dma_start3A_56 = tpu.memref_slice %arg9[%add3A_15, %dma_start3A] : memref<10240x128xf32, #tpu.memory_space<vmem_shared>> -> memref<128x128xf32, #tpu.memory_space<vmem_shared>>
      %dma_start3A_57 = arith.constant 0 : i32
      %dma_start3A_58 = tpu.memref_slice %arg9[%add3A_15, %dma_start3A_57] : memref<10240x128xf32, #tpu.memory_space<vmem_shared>> -> memref<128x128xf32, #tpu.memory_space<vmem_shared>>
      tpu.enqueue_dma source(%arg8 : memref<128x128xf32, #tpu.memory_space<vmem>>) target(%dma_start3A_58 : memref<128x128xf32, #tpu.memory_space<vmem_shared>>) target_semaphore(%run_scoped3A : memref<!tpu.dma_semaphore, #tpu.memory_space<semaphore_mem>>)
      %dma_wait3A = arith.constant 0 : i32
      %dma_wait3A_59 = tpu.memref_slice %arg9[%add3A_15, %dma_wait3A] : memref<10240x128xf32, #tpu.memory_space<vmem_shared>> -> memref<128x128xf32, #tpu.memory_space<vmem_shared>>
      %dma_wait3A_60 = arith.constant 0 : i32
      %dma_wait3A_61 = tpu.memref_slice %arg9[%add3A_15, %dma_wait3A_60] : memref<10240x128xf32, #tpu.memory_space<vmem_shared>> -> memref<128x128xf32, #tpu.memory_space<vmem_shared>>
      tpu.wait_dma2 semaphore(%run_scoped3A : memref<!tpu.dma_semaphore, #tpu.memory_space<semaphore_mem>>) src(%arg8 : memref<128x128xf32, #tpu.memory_space<vmem>>) dst(%dma_wait3A_61 : memref<128x128xf32, #tpu.memory_space<vmem_shared>>)
      tpu.yield
    }) : () -> ()
    %mul3A_16 = arith.constant 640 : i32
    %mul3A_17 = arith.muli %arg1, %mul3A_16 : i32
    %add3A_18 = arith.constant 256 : i32
    %add3A_19 = arith.addi %mul3A_17, %add3A_18 : i32
    "tpu.region"() ({
      %run_scoped3A = tpu.sem_alloc : memref<!tpu.dma_semaphore, #tpu.memory_space<semaphore_mem>>
      %dma_start3A = arith.constant 0 : i32
      %dma_start3A_56 = tpu.memref_slice %arg9[%add3A_19, %dma_start3A] : memref<10240x128xf32, #tpu.memory_space<vmem_shared>> -> memref<128x128xf32, #tpu.memory_space<vmem_shared>>
      %dma_start3A_57 = arith.constant 0 : i32
      %dma_start3A_58 = tpu.memref_slice %arg9[%add3A_19, %dma_start3A_57] : memref<10240x128xf32, #tpu.memory_space<vmem_shared>> -> memref<128x128xf32, #tpu.memory_space<vmem_shared>>
      tpu.enqueue_dma source(%arg8 : memref<128x128xf32, #tpu.memory_space<vmem>>) target(%dma_start3A_58 : memref<128x128xf32, #tpu.memory_space<vmem_shared>>) target_semaphore(%run_scoped3A : memref<!tpu.dma_semaphore, #tpu.memory_space<semaphore_mem>>)
      %dma_wait3A = arith.constant 0 : i32
      %dma_wait3A_59 = tpu.memref_slice %arg9[%add3A_19, %dma_wait3A] : memref<10240x128xf32, #tpu.memory_space<vmem_shared>> -> memref<128x128xf32, #tpu.memory_space<vmem_shared>>
      %dma_wait3A_60 = arith.constant 0 : i32
      %dma_wait3A_61 = tpu.memref_slice %arg9[%add3A_19, %dma_wait3A_60] : memref<10240x128xf32, #tpu.memory_space<vmem_shared>> -> memref<128x128xf32, #tpu.memory_space<vmem_shared>>
      tpu.wait_dma2 semaphore(%run_scoped3A : memref<!tpu.dma_semaphore, #tpu.memory_space<semaphore_mem>>) src(%arg8 : memref<128x128xf32, #tpu.memory_space<vmem>>) dst(%dma_wait3A_61 : memref<128x128xf32, #tpu.memory_space<vmem_shared>>)
      tpu.yield
    }) : () -> ()
    %mul3A_20 = arith.constant 640 : i32
    %mul3A_21 = arith.muli %arg1, %mul3A_20 : i32
    %add3A_22 = arith.constant 384 : i32
    %add3A_23 = arith.addi %mul3A_21, %add3A_22 : i32
    "tpu.region"() ({
      %run_scoped3A = tpu.sem_alloc : memref<!tpu.dma_semaphore, #tpu.memory_space<semaphore_mem>>
      %dma_start3A = arith.constant 0 : i32
      %dma_start3A_56 = tpu.memref_slice %arg9[%add3A_23, %dma_start3A] : memref<10240x128xf32, #tpu.memory_space<vmem_shared>> -> memref<128x128xf32, #tpu.memory_space<vmem_shared>>
      %dma_start3A_57 = arith.constant 0 : i32
      %dma_start3A_58 = tpu.memref_slice %arg9[%add3A_23, %dma_start3A_57] : memref<10240x128xf32, #tpu.memory_space<vmem_shared>> -> memref<128x128xf32, #tpu.memory_space<vmem_shared>>
      tpu.enqueue_dma source(%arg8 : memref<128x128xf32, #tpu.memory_space<vmem>>) target(%dma_start3A_58 : memref<128x128xf32, #tpu.memory_space<vmem_shared>>) target_semaphore(%run_scoped3A : memref<!tpu.dma_semaphore, #tpu.memory_space<semaphore_mem>>)
      %dma_wait3A = arith.constant 0 : i32
      %dma_wait3A_59 = tpu.memref_slice %arg9[%add3A_23, %dma_wait3A] : memref<10240x128xf32, #tpu.memory_space<vmem_shared>> -> memref<128x128xf32, #tpu.memory_space<vmem_shared>>
      %dma_wait3A_60 = arith.constant 0 : i32
      %dma_wait3A_61 = tpu.memref_slice %arg9[%add3A_23, %dma_wait3A_60] : memref<10240x128xf32, #tpu.memory_space<vmem_shared>> -> memref<128x128xf32, #tpu.memory_space<vmem_shared>>
      tpu.wait_dma2 semaphore(%run_scoped3A : memref<!tpu.dma_semaphore, #tpu.memory_space<semaphore_mem>>) src(%arg8 : memref<128x128xf32, #tpu.memory_space<vmem>>) dst(%dma_wait3A_61 : memref<128x128xf32, #tpu.memory_space<vmem_shared>>)
      tpu.yield
    }) : () -> ()
    %mul3A_24 = arith.constant 640 : i32
    %mul3A_25 = arith.muli %arg1, %mul3A_24 : i32
    %add3A_26 = arith.constant 512 : i32
    %add3A_27 = arith.addi %mul3A_25, %add3A_26 : i32
    "tpu.region"() ({
      %run_scoped3A = tpu.sem_alloc : memref<!tpu.dma_semaphore, #tpu.memory_space<semaphore_mem>>
      %dma_start3A = arith.constant 0 : i32
      %dma_start3A_56 = tpu.memref_slice %arg9[%add3A_27, %dma_start3A] : memref<10240x128xf32, #tpu.memory_space<vmem_shared>> -> memref<128x128xf32, #tpu.memory_space<vmem_shared>>
      %dma_start3A_57 = arith.constant 0 : i32
      %dma_start3A_58 = tpu.memref_slice %arg9[%add3A_27, %dma_start3A_57] : memref<10240x128xf32, #tpu.memory_space<vmem_shared>> -> memref<128x128xf32, #tpu.memory_space<vmem_shared>>
      tpu.enqueue_dma source(%arg8 : memref<128x128xf32, #tpu.memory_space<vmem>>) target(%dma_start3A_58 : memref<128x128xf32, #tpu.memory_space<vmem_shared>>) target_semaphore(%run_scoped3A : memref<!tpu.dma_semaphore, #tpu.memory_space<semaphore_mem>>)
      %dma_wait3A = arith.constant 0 : i32
      %dma_wait3A_59 = tpu.memref_slice %arg9[%add3A_27, %dma_wait3A] : memref<10240x128xf32, #tpu.memory_space<vmem_shared>> -> memref<128x128xf32, #tpu.memory_space<vmem_shared>>
      %dma_wait3A_60 = arith.constant 0 : i32
      %dma_wait3A_61 = tpu.memref_slice %arg9[%add3A_27, %dma_wait3A_60] : memref<10240x128xf32, #tpu.memory_space<vmem_shared>> -> memref<128x128xf32, #tpu.memory_space<vmem_shared>>
      tpu.wait_dma2 semaphore(%run_scoped3A : memref<!tpu.dma_semaphore, #tpu.memory_space<semaphore_mem>>) src(%arg8 : memref<128x128xf32, #tpu.memory_space<vmem>>) dst(%dma_wait3A_61 : memref<128x128xf32, #tpu.memory_space<vmem_shared>>)
      tpu.yield
    }) : () -> ()
    %barrier3A = arith.constant 0 : index
    tpu.barrier barrier_id(%barrier3A)
    %scan3A_28 = arith.constant 0 : i32
    %scan3A_29 = arith.constant 0 : i32
    %scan3A_30 = arith.constant 79 : i32
    %scan3A_31 = arith.addi %scan3A_29, %scan3A_30 : i32
    %scan3A_32 = arith.constant 1 : i32
    %scan3A_33 = scf.for %scan3A_56 = %scan3A_29 to %scan3A_31 step %scan3A_32 iter_args(%scan3A_57 = %scan3A_28) -> (i32)  : i32 {
      %mul3A_58 = arith.constant 79 : i32
      %mul3A_59 = arith.muli %add3A, %mul3A_58 : i32
      %add3A_60 = arith.addi %mul3A_59, %scan3A_56 : i32
      "tpu.region"() ({
        %run_scoped3A = tpu.sem_alloc : memref<!tpu.dma_semaphore, #tpu.memory_space<semaphore_mem>>
        %dma_start3A_66 = arith.constant 0 : i32
        %dma_start3A_67 = tpu.memref_slice %arg3[%add3A_60, %dma_start3A_66] : memref<2528x128xi32, #tpu.memory_space<hbm>> -> memref<1x128xi32, #tpu.memory_space<hbm>>
        %dma_start3A_68 = tpu.memref_squeeze %dma_start3A_67 : memref<1x128xi32, #tpu.memory_space<hbm>> -> memref<128xi32, #tpu.memory_space<hbm>>
        %dma_start3A_69 = arith.constant 0 : i32
        %dma_start3A_70 = tpu.memref_slice %arg3[%add3A_60, %dma_start3A_69] : memref<2528x128xi32, #tpu.memory_space<hbm>> -> memref<1x128xi32, #tpu.memory_space<hbm>>
        %dma_start3A_71 = tpu.memref_squeeze %dma_start3A_70 : memref<1x128xi32, #tpu.memory_space<hbm>> -> memref<128xi32, #tpu.memory_space<hbm>>
        tpu.enqueue_dma source(%dma_start3A_71 : memref<128xi32, #tpu.memory_space<hbm>>) target(%arg6 : memref<128xi32, #tpu.memory_space<vmem>>) target_semaphore(%run_scoped3A : memref<!tpu.dma_semaphore, #tpu.memory_space<semaphore_mem>>)
        %dma_wait3A_72 = arith.constant 0 : i32
        %dma_wait3A_73 = tpu.memref_slice %arg3[%add3A_60, %dma_wait3A_72] : memref<2528x128xi32, #tpu.memory_space<hbm>> -> memref<1x128xi32, #tpu.memory_space<hbm>>
        %dma_wait3A_74 = tpu.memref_squeeze %dma_wait3A_73 : memref<1x128xi32, #tpu.memory_space<hbm>> -> memref<128xi32, #tpu.memory_space<hbm>>
        %dma_wait3A_75 = arith.constant 0 : i32
        %dma_wait3A_76 = tpu.memref_slice %arg3[%add3A_60, %dma_wait3A_75] : memref<2528x128xi32, #tpu.memory_space<hbm>> -> memref<1x128xi32, #tpu.memory_space<hbm>>
        %dma_wait3A_77 = tpu.memref_squeeze %dma_wait3A_76 : memref<1x128xi32, #tpu.memory_space<hbm>> -> memref<128xi32, #tpu.memory_space<hbm>>
        tpu.wait_dma2 semaphore(%run_scoped3A : memref<!tpu.dma_semaphore, #tpu.memory_space<semaphore_mem>>) src(%dma_wait3A_77 : memref<128xi32, #tpu.memory_space<hbm>>) dst(%arg6 : memref<128xi32, #tpu.memory_space<vmem>>)
        tpu.yield
      }) : () -> ()
      "tpu.region"() ({
        %run_scoped3A = tpu.sem_alloc : memref<!tpu.dma_semaphore, #tpu.memory_space<semaphore_mem>>
        %dma_start3A_66 = arith.constant 0 : i32
        %dma_start3A_67 = tpu.memref_slice %arg4[%add3A_60, %dma_start3A_66] : memref<2528x128xi32, #tpu.memory_space<hbm>> -> memref<1x128xi32, #tpu.memory_space<hbm>>
        %dma_start3A_68 = tpu.memref_squeeze %dma_start3A_67 : memref<1x128xi32, #tpu.memory_space<hbm>> -> memref<128xi32, #tpu.memory_space<hbm>>
        %dma_start3A_69 = arith.constant 0 : i32
        %dma_start3A_70 = tpu.memref_slice %arg4[%add3A_60, %dma_start3A_69] : memref<2528x128xi32, #tpu.memory_space<hbm>> -> memref<1x128xi32, #tpu.memory_space<hbm>>
        %dma_start3A_71 = tpu.memref_squeeze %dma_start3A_70 : memref<1x128xi32, #tpu.memory_space<hbm>> -> memref<128xi32, #tpu.memory_space<hbm>>
        tpu.enqueue_dma source(%dma_start3A_71 : memref<128xi32, #tpu.memory_space<hbm>>) target(%arg7 : memref<128xi32, #tpu.memory_space<vmem>>) target_semaphore(%run_scoped3A : memref<!tpu.dma_semaphore, #tpu.memory_space<semaphore_mem>>)
        %dma_wait3A_72 = arith.constant 0 : i32
        %dma_wait3A_73 = tpu.memref_slice %arg4[%add3A_60, %dma_wait3A_72] : memref<2528x128xi32, #tpu.memory_space<hbm>> -> memref<1x128xi32, #tpu.memory_space<hbm>>
        %dma_wait3A_74 = tpu.memref_squeeze %dma_wait3A_73 : memref<1x128xi32, #tpu.memory_space<hbm>> -> memref<128xi32, #tpu.memory_space<hbm>>
        %dma_wait3A_75 = arith.constant 0 : i32
        %dma_wait3A_76 = tpu.memref_slice %arg4[%add3A_60, %dma_wait3A_75] : memref<2528x128xi32, #tpu.memory_space<hbm>> -> memref<1x128xi32, #tpu.memory_space<hbm>>
        %dma_wait3A_77 = tpu.memref_squeeze %dma_wait3A_76 : memref<1x128xi32, #tpu.memory_space<hbm>> -> memref<128xi32, #tpu.memory_space<hbm>>
        tpu.wait_dma2 semaphore(%run_scoped3A : memref<!tpu.dma_semaphore, #tpu.memory_space<semaphore_mem>>) src(%dma_wait3A_77 : memref<128xi32, #tpu.memory_space<hbm>>) dst(%arg7 : memref<128xi32, #tpu.memory_space<vmem>>)
        tpu.yield
      }) : () -> ()
      %dma_start3A = arith.constant 0 : i32
      %dma_start3A_61 = arith.constant 0 : i32
      %dma_start3A_62 = tpu.memref_slice %arg2[%dma_start3A, %dma_start3A_61] : memref<10240x128xf32, #tpu.memory_space<hbm>> -> memref<10240x128xf32, #tpu.memory_space<hbm>>
      tpu.enqueue_indirect_dma source(%dma_start3A_62 : memref<10240x128xf32, #tpu.memory_space<hbm>>) target(%arg8 : memref<128x128xf32, #tpu.memory_space<vmem>>) offsets(%arg6 : memref<128xi32, #tpu.memory_space<vmem>>) semaphore(%arg10 : memref<!tpu.dma_semaphore, #tpu.memory_space<semaphore_mem>>)
      %dma_wait3A = arith.constant 0 : i32
      %dma_wait3A_63 = arith.constant 0 : i32
      %dma_wait3A_64 = tpu.memref_slice %arg2[%dma_wait3A, %dma_wait3A_63] : memref<10240x128xf32, #tpu.memory_space<hbm>> -> memref<10240x128xf32, #tpu.memory_space<hbm>>
      tpu.wait_indirect_dma semaphore(%arg10 : memref<!tpu.dma_semaphore, #tpu.memory_space<semaphore_mem>>) src(%dma_wait3A_64 : memref<10240x128xf32, #tpu.memory_space<hbm>>) dst(%arg8 : memref<128x128xf32, #tpu.memory_space<vmem>>)
      "tpu.region"() ({
        %run_scoped3A = tpu.sem_alloc : memref<!tpu.dma_semaphore, #tpu.memory_space<semaphore_mem>>
        %dma_start3A_66 = arith.constant 0 : i32
        %dma_start3A_67 = arith.constant 0 : i32
        %dma_start3A_68 = tpu.memref_slice %arg9[%dma_start3A_66, %dma_start3A_67] : memref<10240x128xf32, #tpu.memory_space<vmem_shared>> -> memref<10240x128xf32, #tpu.memory_space<vmem_shared>>
        tpu.enqueue_indirect_dma source(%arg8 : memref<128x128xf32, #tpu.memory_space<vmem>>) target(%dma_start3A_68 : memref<10240x128xf32, #tpu.memory_space<vmem_shared>>) offsets(%arg7 : memref<128xi32, #tpu.memory_space<vmem>>) semaphore(%run_scoped3A : memref<!tpu.dma_semaphore, #tpu.memory_space<semaphore_mem>>) {add = true}
        %dma_wait3A_69 = arith.constant 0 : i32
        %dma_wait3A_70 = arith.constant 0 : i32
        %dma_wait3A_71 = tpu.memref_slice %arg9[%dma_wait3A_69, %dma_wait3A_70] : memref<10240x128xf32, #tpu.memory_space<vmem_shared>> -> memref<10240x128xf32, #tpu.memory_space<vmem_shared>>
        tpu.wait_indirect_dma semaphore(%run_scoped3A : memref<!tpu.dma_semaphore, #tpu.memory_space<semaphore_mem>>) src(%arg8 : memref<128x128xf32, #tpu.memory_space<vmem>>) dst(%dma_wait3A_71 : memref<10240x128xf32, #tpu.memory_space<vmem_shared>>)
        tpu.yield
      }) : () -> ()
      %scan3A_65 = arith.constant 0 : i32
      scf.yield %scan3A_65 : i32
    }
    %scan3A_34 = arith.constant 79 : i32
    %barrier3A_35 = arith.constant 0 : index
    tpu.barrier barrier_id(%barrier3A_35)
    %mul3A_36 = arith.constant 640 : i32
    %mul3A_37 = arith.muli %arg1, %mul3A_36 : i32
    %add3A_38 = arith.constant 0 : i32
    %add3A_39 = arith.addi %mul3A_37, %add3A_38 : i32
    "tpu.region"() ({
      %run_scoped3A = tpu.sem_alloc : memref<!tpu.dma_semaphore, #tpu.memory_space<semaphore_mem>>
      %dma_start3A = arith.constant 0 : i32
      %dma_start3A_56 = tpu.memref_slice %arg9[%add3A_39, %dma_start3A] : memref<10240x128xf32, #tpu.memory_space<vmem_shared>> -> memref<128x128xf32, #tpu.memory_space<vmem_shared>>
      %dma_start3A_57 = arith.constant 0 : i32
      %dma_start3A_58 = tpu.memref_slice %arg9[%add3A_39, %dma_start3A_57] : memref<10240x128xf32, #tpu.memory_space<vmem_shared>> -> memref<128x128xf32, #tpu.memory_space<vmem_shared>>
      tpu.enqueue_dma source(%dma_start3A_58 : memref<128x128xf32, #tpu.memory_space<vmem_shared>>) target(%arg8 : memref<128x128xf32, #tpu.memory_space<vmem>>) target_semaphore(%run_scoped3A : memref<!tpu.dma_semaphore, #tpu.memory_space<semaphore_mem>>)
      %dma_wait3A = arith.constant 0 : i32
      %dma_wait3A_59 = tpu.memref_slice %arg9[%add3A_39, %dma_wait3A] : memref<10240x128xf32, #tpu.memory_space<vmem_shared>> -> memref<128x128xf32, #tpu.memory_space<vmem_shared>>
      %dma_wait3A_60 = arith.constant 0 : i32
      %dma_wait3A_61 = tpu.memref_slice %arg9[%add3A_39, %dma_wait3A_60] : memref<10240x128xf32, #tpu.memory_space<vmem_shared>> -> memref<128x128xf32, #tpu.memory_space<vmem_shared>>
      tpu.wait_dma2 semaphore(%run_scoped3A : memref<!tpu.dma_semaphore, #tpu.memory_space<semaphore_mem>>) src(%dma_wait3A_61 : memref<128x128xf32, #tpu.memory_space<vmem_shared>>) dst(%arg8 : memref<128x128xf32, #tpu.memory_space<vmem>>)
      tpu.yield
    }) : () -> ()
    "tpu.region"() ({
      %run_scoped3A = tpu.sem_alloc : memref<!tpu.dma_semaphore, #tpu.memory_space<semaphore_mem>>
      %dma_start3A = arith.constant 0 : i32
      %dma_start3A_56 = tpu.memref_slice %arg5[%arg0, %add3A_39, %dma_start3A] : memref<2x10240x128xf32, #tpu.memory_space<hbm>> -> memref<1x128x128xf32, #tpu.memory_space<hbm>>
      %dma_start3A_57 = tpu.memref_squeeze %dma_start3A_56 : memref<1x128x128xf32, #tpu.memory_space<hbm>> -> memref<128x128xf32, #tpu.memory_space<hbm>>
      %dma_start3A_58 = arith.constant 0 : i32
      %dma_start3A_59 = tpu.memref_slice %arg5[%arg0, %add3A_39, %dma_start3A_58] : memref<2x10240x128xf32, #tpu.memory_space<hbm>> -> memref<1x128x128xf32, #tpu.memory_space<hbm>>
      %dma_start3A_60 = tpu.memref_squeeze %dma_start3A_59 : memref<1x128x128xf32, #tpu.memory_space<hbm>> -> memref<128x128xf32, #tpu.memory_space<hbm>>
      tpu.enqueue_dma source(%arg8 : memref<128x128xf32, #tpu.memory_space<vmem>>) target(%dma_start3A_60 : memref<128x128xf32, #tpu.memory_space<hbm>>) target_semaphore(%run_scoped3A : memref<!tpu.dma_semaphore, #tpu.memory_space<semaphore_mem>>)
      %dma_wait3A = arith.constant 0 : i32
      %dma_wait3A_61 = tpu.memref_slice %arg5[%arg0, %add3A_39, %dma_wait3A] : memref<2x10240x128xf32, #tpu.memory_space<hbm>> -> memref<1x128x128xf32, #tpu.memory_space<hbm>>
      %dma_wait3A_62 = tpu.memref_squeeze %dma_wait3A_61 : memref<1x128x128xf32, #tpu.memory_space<hbm>> -> memref<128x128xf32, #tpu.memory_space<hbm>>
      %dma_wait3A_63 = arith.constant 0 : i32
      %dma_wait3A_64 = tpu.memref_slice %arg5[%arg0, %add3A_39, %dma_wait3A_63] : memref<2x10240x128xf32, #tpu.memory_space<hbm>> -> memref<1x128x128xf32, #tpu.memory_space<hbm>>
      %dma_wait3A_65 = tpu.memref_squeeze %dma_wait3A_64 : memref<1x128x128xf32, #tpu.memory_space<hbm>> -> memref<128x128xf32, #tpu.memory_space<hbm>>
      tpu.wait_dma2 semaphore(%run_scoped3A : memref<!tpu.dma_semaphore, #tpu.memory_space<semaphore_mem>>) src(%arg8 : memref<128x128xf32, #tpu.memory_space<vmem>>) dst(%dma_wait3A_65 : memref<128x128xf32, #tpu.memory_space<hbm>>)
      tpu.yield
    }) : () -> ()
    %mul3A_40 = arith.constant 640 : i32
    %mul3A_41 = arith.muli %arg1, %mul3A_40 : i32
    %add3A_42 = arith.constant 128 : i32
    %add3A_43 = arith.addi %mul3A_41, %add3A_42 : i32
    "tpu.region"() ({
      %run_scoped3A = tpu.sem_alloc : memref<!tpu.dma_semaphore, #tpu.memory_space<semaphore_mem>>
      %dma_start3A = arith.constant 0 : i32
      %dma_start3A_56 = tpu.memref_slice %arg9[%add3A_43, %dma_start3A] : memref<10240x128xf32, #tpu.memory_space<vmem_shared>> -> memref<128x128xf32, #tpu.memory_space<vmem_shared>>
      %dma_start3A_57 = arith.constant 0 : i32
      %dma_start3A_58 = tpu.memref_slice %arg9[%add3A_43, %dma_start3A_57] : memref<10240x128xf32, #tpu.memory_space<vmem_shared>> -> memref<128x128xf32, #tpu.memory_space<vmem_shared>>
      tpu.enqueue_dma source(%dma_start3A_58 : memref<128x128xf32, #tpu.memory_space<vmem_shared>>) target(%arg8 : memref<128x128xf32, #tpu.memory_space<vmem>>) target_semaphore(%run_scoped3A : memref<!tpu.dma_semaphore, #tpu.memory_space<semaphore_mem>>)
      %dma_wait3A = arith.constant 0 : i32
      %dma_wait3A_59 = tpu.memref_slice %arg9[%add3A_43, %dma_wait3A] : memref<10240x128xf32, #tpu.memory_space<vmem_shared>> -> memref<128x128xf32, #tpu.memory_space<vmem_shared>>
      %dma_wait3A_60 = arith.constant 0 : i32
      %dma_wait3A_61 = tpu.memref_slice %arg9[%add3A_43, %dma_wait3A_60] : memref<10240x128xf32, #tpu.memory_space<vmem_shared>> -> memref<128x128xf32, #tpu.memory_space<vmem_shared>>
      tpu.wait_dma2 semaphore(%run_scoped3A : memref<!tpu.dma_semaphore, #tpu.memory_space<semaphore_mem>>) src(%dma_wait3A_61 : memref<128x128xf32, #tpu.memory_space<vmem_shared>>) dst(%arg8 : memref<128x128xf32, #tpu.memory_space<vmem>>)
      tpu.yield
    }) : () -> ()
    "tpu.region"() ({
      %run_scoped3A = tpu.sem_alloc : memref<!tpu.dma_semaphore, #tpu.memory_space<semaphore_mem>>
      %dma_start3A = arith.constant 0 : i32
      %dma_start3A_56 = tpu.memref_slice %arg5[%arg0, %add3A_43, %dma_start3A] : memref<2x10240x128xf32, #tpu.memory_space<hbm>> -> memref<1x128x128xf32, #tpu.memory_space<hbm>>
      %dma_start3A_57 = tpu.memref_squeeze %dma_start3A_56 : memref<1x128x128xf32, #tpu.memory_space<hbm>> -> memref<128x128xf32, #tpu.memory_space<hbm>>
      %dma_start3A_58 = arith.constant 0 : i32
      %dma_start3A_59 = tpu.memref_slice %arg5[%arg0, %add3A_43, %dma_start3A_58] : memref<2x10240x128xf32, #tpu.memory_space<hbm>> -> memref<1x128x128xf32, #tpu.memory_space<hbm>>
      %dma_start3A_60 = tpu.memref_squeeze %dma_start3A_59 : memref<1x128x128xf32, #tpu.memory_space<hbm>> -> memref<128x128xf32, #tpu.memory_space<hbm>>
      tpu.enqueue_dma source(%arg8 : memref<128x128xf32, #tpu.memory_space<vmem>>) target(%dma_start3A_60 : memref<128x128xf32, #tpu.memory_space<hbm>>) target_semaphore(%run_scoped3A : memref<!tpu.dma_semaphore, #tpu.memory_space<semaphore_mem>>)
      %dma_wait3A = arith.constant 0 : i32
      %dma_wait3A_61 = tpu.memref_slice %arg5[%arg0, %add3A_43, %dma_wait3A] : memref<2x10240x128xf32, #tpu.memory_space<hbm>> -> memref<1x128x128xf32, #tpu.memory_space<hbm>>
      %dma_wait3A_62 = tpu.memref_squeeze %dma_wait3A_61 : memref<1x128x128xf32, #tpu.memory_space<hbm>> -> memref<128x128xf32, #tpu.memory_space<hbm>>
      %dma_wait3A_63 = arith.constant 0 : i32
      %dma_wait3A_64 = tpu.memref_slice %arg5[%arg0, %add3A_43, %dma_wait3A_63] : memref<2x10240x128xf32, #tpu.memory_space<hbm>> -> memref<1x128x128xf32, #tpu.memory_space<hbm>>
      %dma_wait3A_65 = tpu.memref_squeeze %dma_wait3A_64 : memref<1x128x128xf32, #tpu.memory_space<hbm>> -> memref<128x128xf32, #tpu.memory_space<hbm>>
      tpu.wait_dma2 semaphore(%run_scoped3A : memref<!tpu.dma_semaphore, #tpu.memory_space<semaphore_mem>>) src(%arg8 : memref<128x128xf32, #tpu.memory_space<vmem>>) dst(%dma_wait3A_65 : memref<128x128xf32, #tpu.memory_space<hbm>>)
      tpu.yield
    }) : () -> ()
    %mul3A_44 = arith.constant 640 : i32
    %mul3A_45 = arith.muli %arg1, %mul3A_44 : i32
    %add3A_46 = arith.constant 256 : i32
    %add3A_47 = arith.addi %mul3A_45, %add3A_46 : i32
    "tpu.region"() ({
      %run_scoped3A = tpu.sem_alloc : memref<!tpu.dma_semaphore, #tpu.memory_space<semaphore_mem>>
      %dma_start3A = arith.constant 0 : i32
      %dma_start3A_56 = tpu.memref_slice %arg9[%add3A_47, %dma_start3A] : memref<10240x128xf32, #tpu.memory_space<vmem_shared>> -> memref<128x128xf32, #tpu.memory_space<vmem_shared>>
      %dma_start3A_57 = arith.constant 0 : i32
      %dma_start3A_58 = tpu.memref_slice %arg9[%add3A_47, %dma_start3A_57] : memref<10240x128xf32, #tpu.memory_space<vmem_shared>> -> memref<128x128xf32, #tpu.memory_space<vmem_shared>>
      tpu.enqueue_dma source(%dma_start3A_58 : memref<128x128xf32, #tpu.memory_space<vmem_shared>>) target(%arg8 : memref<128x128xf32, #tpu.memory_space<vmem>>) target_semaphore(%run_scoped3A : memref<!tpu.dma_semaphore, #tpu.memory_space<semaphore_mem>>)
      %dma_wait3A = arith.constant 0 : i32
      %dma_wait3A_59 = tpu.memref_slice %arg9[%add3A_47, %dma_wait3A] : memref<10240x128xf32, #tpu.memory_space<vmem_shared>> -> memref<128x128xf32, #tpu.memory_space<vmem_shared>>
      %dma_wait3A_60 = arith.constant 0 : i32
      %dma_wait3A_61 = tpu.memref_slice %arg9[%add3A_47, %dma_wait3A_60] : memref<10240x128xf32, #tpu.memory_space<vmem_shared>> -> memref<128x128xf32, #tpu.memory_space<vmem_shared>>
      tpu.wait_dma2 semaphore(%run_scoped3A : memref<!tpu.dma_semaphore, #tpu.memory_space<semaphore_mem>>) src(%dma_wait3A_61 : memref<128x128xf32, #tpu.memory_space<vmem_shared>>) dst(%arg8 : memref<128x128xf32, #tpu.memory_space<vmem>>)
      tpu.yield
    }) : () -> ()
    "tpu.region"() ({
      %run_scoped3A = tpu.sem_alloc : memref<!tpu.dma_semaphore, #tpu.memory_space<semaphore_mem>>
      %dma_start3A = arith.constant 0 : i32
      %dma_start3A_56 = tpu.memref_slice %arg5[%arg0, %add3A_47, %dma_start3A] : memref<2x10240x128xf32, #tpu.memory_space<hbm>> -> memref<1x128x128xf32, #tpu.memory_space<hbm>>
      %dma_start3A_57 = tpu.memref_squeeze %dma_start3A_56 : memref<1x128x128xf32, #tpu.memory_space<hbm>> -> memref<128x128xf32, #tpu.memory_space<hbm>>
      %dma_start3A_58 = arith.constant 0 : i32
      %dma_start3A_59 = tpu.memref_slice %arg5[%arg0, %add3A_47, %dma_start3A_58] : memref<2x10240x128xf32, #tpu.memory_space<hbm>> -> memref<1x128x128xf32, #tpu.memory_space<hbm>>
      %dma_start3A_60 = tpu.memref_squeeze %dma_start3A_59 : memref<1x128x128xf32, #tpu.memory_space<hbm>> -> memref<128x128xf32, #tpu.memory_space<hbm>>
      tpu.enqueue_dma source(%arg8 : memref<128x128xf32, #tpu.memory_space<vmem>>) target(%dma_start3A_60 : memref<128x128xf32, #tpu.memory_space<hbm>>) target_semaphore(%run_scoped3A : memref<!tpu.dma_semaphore, #tpu.memory_space<semaphore_mem>>)
      %dma_wait3A = arith.constant 0 : i32
      %dma_wait3A_61 = tpu.memref_slice %arg5[%arg0, %add3A_47, %dma_wait3A] : memref<2x10240x128xf32, #tpu.memory_space<hbm>> -> memref<1x128x128xf32, #tpu.memory_space<hbm>>
      %dma_wait3A_62 = tpu.memref_squeeze %dma_wait3A_61 : memref<1x128x128xf32, #tpu.memory_space<hbm>> -> memref<128x128xf32, #tpu.memory_space<hbm>>
      %dma_wait3A_63 = arith.constant 0 : i32
      %dma_wait3A_64 = tpu.memref_slice %arg5[%arg0, %add3A_47, %dma_wait3A_63] : memref<2x10240x128xf32, #tpu.memory_space<hbm>> -> memref<1x128x128xf32, #tpu.memory_space<hbm>>
      %dma_wait3A_65 = tpu.memref_squeeze %dma_wait3A_64 : memref<1x128x128xf32, #tpu.memory_space<hbm>> -> memref<128x128xf32, #tpu.memory_space<hbm>>
      tpu.wait_dma2 semaphore(%run_scoped3A : memref<!tpu.dma_semaphore, #tpu.memory_space<semaphore_mem>>) src(%arg8 : memref<128x128xf32, #tpu.memory_space<vmem>>) dst(%dma_wait3A_65 : memref<128x128xf32, #tpu.memory_space<hbm>>)
      tpu.yield
    }) : () -> ()
    %mul3A_48 = arith.constant 640 : i32
    %mul3A_49 = arith.muli %arg1, %mul3A_48 : i32
    %add3A_50 = arith.constant 384 : i32
    %add3A_51 = arith.addi %mul3A_49, %add3A_50 : i32
    "tpu.region"() ({
      %run_scoped3A = tpu.sem_alloc : memref<!tpu.dma_semaphore, #tpu.memory_space<semaphore_mem>>
      %dma_start3A = arith.constant 0 : i32
      %dma_start3A_56 = tpu.memref_slice %arg9[%add3A_51, %dma_start3A] : memref<10240x128xf32, #tpu.memory_space<vmem_shared>> -> memref<128x128xf32, #tpu.memory_space<vmem_shared>>
      %dma_start3A_57 = arith.constant 0 : i32
      %dma_start3A_58 = tpu.memref_slice %arg9[%add3A_51, %dma_start3A_57] : memref<10240x128xf32, #tpu.memory_space<vmem_shared>> -> memref<128x128xf32, #tpu.memory_space<vmem_shared>>
      tpu.enqueue_dma source(%dma_start3A_58 : memref<128x128xf32, #tpu.memory_space<vmem_shared>>) target(%arg8 : memref<128x128xf32, #tpu.memory_space<vmem>>) target_semaphore(%run_scoped3A : memref<!tpu.dma_semaphore, #tpu.memory_space<semaphore_mem>>)
      %dma_wait3A = arith.constant 0 : i32
      %dma_wait3A_59 = tpu.memref_slice %arg9[%add3A_51, %dma_wait3A] : memref<10240x128xf32, #tpu.memory_space<vmem_shared>> -> memref<128x128xf32, #tpu.memory_space<vmem_shared>>
      %dma_wait3A_60 = arith.constant 0 : i32
      %dma_wait3A_61 = tpu.memref_slice %arg9[%add3A_51, %dma_wait3A_60] : memref<10240x128xf32, #tpu.memory_space<vmem_shared>> -> memref<128x128xf32, #tpu.memory_space<vmem_shared>>
      tpu.wait_dma2 semaphore(%run_scoped3A : memref<!tpu.dma_semaphore, #tpu.memory_space<semaphore_mem>>) src(%dma_wait3A_61 : memref<128x128xf32, #tpu.memory_space<vmem_shared>>) dst(%arg8 : memref<128x128xf32, #tpu.memory_space<vmem>>)
      tpu.yield
    }) : () -> ()
    "tpu.region"() ({
      %run_scoped3A = tpu.sem_alloc : memref<!tpu.dma_semaphore, #tpu.memory_space<semaphore_mem>>
      %dma_start3A = arith.constant 0 : i32
      %dma_start3A_56 = tpu.memref_slice %arg5[%arg0, %add3A_51, %dma_start3A] : memref<2x10240x128xf32, #tpu.memory_space<hbm>> -> memref<1x128x128xf32, #tpu.memory_space<hbm>>
      %dma_start3A_57 = tpu.memref_squeeze %dma_start3A_56 : memref<1x128x128xf32, #tpu.memory_space<hbm>> -> memref<128x128xf32, #tpu.memory_space<hbm>>
      %dma_start3A_58 = arith.constant 0 : i32
      %dma_start3A_59 = tpu.memref_slice %arg5[%arg0, %add3A_51, %dma_start3A_58] : memref<2x10240x128xf32, #tpu.memory_space<hbm>> -> memref<1x128x128xf32, #tpu.memory_space<hbm>>
      %dma_start3A_60 = tpu.memref_squeeze %dma_start3A_59 : memref<1x128x128xf32, #tpu.memory_space<hbm>> -> memref<128x128xf32, #tpu.memory_space<hbm>>
      tpu.enqueue_dma source(%arg8 : memref<128x128xf32, #tpu.memory_space<vmem>>) target(%dma_start3A_60 : memref<128x128xf32, #tpu.memory_space<hbm>>) target_semaphore(%run_scoped3A : memref<!tpu.dma_semaphore, #tpu.memory_space<semaphore_mem>>)
      %dma_wait3A = arith.constant 0 : i32
      %dma_wait3A_61 = tpu.memref_slice %arg5[%arg0, %add3A_51, %dma_wait3A] : memref<2x10240x128xf32, #tpu.memory_space<hbm>> -> memref<1x128x128xf32, #tpu.memory_space<hbm>>
      %dma_wait3A_62 = tpu.memref_squeeze %dma_wait3A_61 : memref<1x128x128xf32, #tpu.memory_space<hbm>> -> memref<128x128xf32, #tpu.memory_space<hbm>>
      %dma_wait3A_63 = arith.constant 0 : i32
      %dma_wait3A_64 = tpu.memref_slice %arg5[%arg0, %add3A_51, %dma_wait3A_63] : memref<2x10240x128xf32, #tpu.memory_space<hbm>> -> memref<1x128x128xf32, #tpu.memory_space<hbm>>
      %dma_wait3A_65 = tpu.memref_squeeze %dma_wait3A_64 : memref<1x128x128xf32, #tpu.memory_space<hbm>> -> memref<128x128xf32, #tpu.memory_space<hbm>>
      tpu.wait_dma2 semaphore(%run_scoped3A : memref<!tpu.dma_semaphore, #tpu.memory_space<semaphore_mem>>) src(%arg8 : memref<128x128xf32, #tpu.memory_space<vmem>>) dst(%dma_wait3A_65 : memref<128x128xf32, #tpu.memory_space<hbm>>)
      tpu.yield
    }) : () -> ()
    %mul3A_52 = arith.constant 640 : i32
    %mul3A_53 = arith.muli %arg1, %mul3A_52 : i32
    %add3A_54 = arith.constant 512 : i32
    %add3A_55 = arith.addi %mul3A_53, %add3A_54 : i32
    "tpu.region"() ({
      %run_scoped3A = tpu.sem_alloc : memref<!tpu.dma_semaphore, #tpu.memory_space<semaphore_mem>>
      %dma_start3A = arith.constant 0 : i32
      %dma_start3A_56 = tpu.memref_slice %arg9[%add3A_55, %dma_start3A] : memref<10240x128xf32, #tpu.memory_space<vmem_shared>> -> memref<128x128xf32, #tpu.memory_space<vmem_shared>>
      %dma_start3A_57 = arith.constant 0 : i32
      %dma_start3A_58 = tpu.memref_slice %arg9[%add3A_55, %dma_start3A_57] : memref<10240x128xf32, #tpu.memory_space<vmem_shared>> -> memref<128x128xf32, #tpu.memory_space<vmem_shared>>
      tpu.enqueue_dma source(%dma_start3A_58 : memref<128x128xf32, #tpu.memory_space<vmem_shared>>) target(%arg8 : memref<128x128xf32, #tpu.memory_space<vmem>>) target_semaphore(%run_scoped3A : memref<!tpu.dma_semaphore, #tpu.memory_space<semaphore_mem>>)
      %dma_wait3A = arith.constant 0 : i32
      %dma_wait3A_59 = tpu.memref_slice %arg9[%add3A_55, %dma_wait3A] : memref<10240x128xf32, #tpu.memory_space<vmem_shared>> -> memref<128x128xf32, #tpu.memory_space<vmem_shared>>
      %dma_wait3A_60 = arith.constant 0 : i32
      %dma_wait3A_61 = tpu.memref_slice %arg9[%add3A_55, %dma_wait3A_60] : memref<10240x128xf32, #tpu.memory_space<vmem_shared>> -> memref<128x128xf32, #tpu.memory_space<vmem_shared>>
      tpu.wait_dma2 semaphore(%run_scoped3A : memref<!tpu.dma_semaphore, #tpu.memory_space<semaphore_mem>>) src(%dma_wait3A_61 : memref<128x128xf32, #tpu.memory_space<vmem_shared>>) dst(%arg8 : memref<128x128xf32, #tpu.memory_space<vmem>>)
      tpu.yield
    }) : () -> ()
    "tpu.region"() ({
      %run_scoped3A = tpu.sem_alloc : memref<!tpu.dma_semaphore, #tpu.memory_space<semaphore_mem>>
      %dma_start3A = arith.constant 0 : i32
      %dma_start3A_56 = tpu.memref_slice %arg5[%arg0, %add3A_55, %dma_start3A] : memref<2x10240x128xf32, #tpu.memory_space<hbm>> -> memref<1x128x128xf32, #tpu.memory_space<hbm>>
      %dma_start3A_57 = tpu.memref_squeeze %dma_start3A_56 : memref<1x128x128xf32, #tpu.memory_space<hbm>> -> memref<128x128xf32, #tpu.memory_space<hbm>>
      %dma_start3A_58 = arith.constant 0 : i32
      %dma_start3A_59 = tpu.memref_slice %arg5[%arg0, %add3A_55, %dma_start3A_58] : memref<2x10240x128xf32, #tpu.memory_space<hbm>> -> memref<1x128x128xf32, #tpu.memory_space<hbm>>
      %dma_start3A_60 = tpu.memref_squeeze %dma_start3A_59 : memref<1x128x128xf32, #tpu.memory_space<hbm>> -> memref<128x128xf32, #tpu.memory_space<hbm>>
      tpu.enqueue_dma source(%arg8 : memref<128x128xf32, #tpu.memory_space<vmem>>) target(%dma_start3A_60 : memref<128x128xf32, #tpu.memory_space<hbm>>) target_semaphore(%run_scoped3A : memref<!tpu.dma_semaphore, #tpu.memory_space<semaphore_mem>>)
      %dma_wait3A = arith.constant 0 : i32
      %dma_wait3A_61 = tpu.memref_slice %arg5[%arg0, %add3A_55, %dma_wait3A] : memref<2x10240x128xf32, #tpu.memory_space<hbm>> -> memref<1x128x128xf32, #tpu.memory_space<hbm>>
      %dma_wait3A_62 = tpu.memref_squeeze %dma_wait3A_61 : memref<1x128x128xf32, #tpu.memory_space<hbm>> -> memref<128x128xf32, #tpu.memory_space<hbm>>
      %dma_wait3A_63 = arith.constant 0 : i32
      %dma_wait3A_64 = tpu.memref_slice %arg5[%arg0, %add3A_55, %dma_wait3A_63] : memref<2x10240x128xf32, #tpu.memory_space<hbm>> -> memref<1x128x128xf32, #tpu.memory_space<hbm>>
      %dma_wait3A_65 = tpu.memref_squeeze %dma_wait3A_64 : memref<1x128x128xf32, #tpu.memory_space<hbm>> -> memref<128x128xf32, #tpu.memory_space<hbm>>
      tpu.wait_dma2 semaphore(%run_scoped3A : memref<!tpu.dma_semaphore, #tpu.memory_space<semaphore_mem>>) src(%arg8 : memref<128x128xf32, #tpu.memory_space<vmem>>) dst(%dma_wait3A_65 : memref<128x128xf32, #tpu.memory_space<hbm>>)
      tpu.yield
    }) : () -> ()
    return
  }
}

#map = affine_map<(d0, d1) -> (0, 0)>
#map1 = affine_map<(d0, d1) -> (0, 0, 0)>
module attributes {stable_mosaic.version = 14 : i64} {
  func.func @_segsum_sc(%arg0: i32, %arg1: i32, %arg2: memref<10240x128xf32, #tpu.memory_space<hbm>>, %arg3: memref<2528x128xi32, #tpu.memory_space<hbm>>, %arg4: memref<2528x128xi32, #tpu.memory_space<hbm>>, %arg5: memref<2x10240x128xf32, #tpu.memory_space<hbm>>, %arg6: memref<128xi32, #tpu.memory_space<vmem>>, %arg7: memref<128xi32, #tpu.memory_space<vmem>>, %arg8: memref<128x128xf32, #tpu.memory_space<vmem>>, %arg9: memref<10240x128xf32, #tpu.memory_space<vmem_shared>>, %arg10: memref<!tpu.dma_semaphore, #tpu.memory_space<semaphore_mem>>) attributes {dimension_semantics = [#tpu.dimension_semantics<core_parallel>, #tpu.dimension_semantics<subcore_parallel>], iteration_bounds = array<i64: 2, 16>, scalar_prefetch = 0 : i64, scratch_operands = 5 : i64, tpu.core_type = #tpu.core_type<sc_vector_subcore>, window_params = [{transform_indices = #map}, {transform_indices = #map}, {transform_indices = #map}, {transform_indices = #map1}]} {
    %mul3A = arith.constant 2 : i32
    %mul3A_0 = arith.muli %arg1, %mul3A : i32
    %add3A = arith.addi %mul3A_0, %arg0 : i32
    %broadcast_in_dim3A = arith.constant 0.000000e+00 : f32
    %broadcast_in_dim3A_1 = vector.broadcast %broadcast_in_dim3A : f32 to vector<16xf32>
    %scan3A = arith.constant 0 : i32
    %scan3A_2 = arith.constant 0 : i32
    %scan3A_3 = arith.constant 128 : i32
    %scan3A_4 = arith.addi %scan3A_2, %scan3A_3 : i32
    %scan3A_5 = arith.constant 1 : i32
    %scan3A_6 = scf.for %scan3A_56 = %scan3A_2 to %scan3A_4 step %scan3A_5 iter_args(%scan3A_57 = %scan3A) -> (i32)  : i32 {
      %swap3A = arith.index_cast %scan3A_56 : i32 to index
      %swap3A_58 = arith.constant 0 : index
      %swap3A_59 = tpu.vector_load %arg8[%swap3A, %swap3A_58] {strides = array<i32>} : memref<128x128xf32, #tpu.memory_space<vmem>>, vector<1x16xf32>,
      %swap3A_60 = vector.shape_cast %swap3A_59 : vector<1x16xf32> to vector<16xf32>
      %swap3A_61 = vector.shape_cast %broadcast_in_dim3A_1 : vector<16xf32> to vector<1x16xf32>
      tpu.vector_store %arg8[%swap3A, %swap3A_58], %swap3A_61 {strides = array<i32>} : memref<128x128xf32, #tpu.memory_space<vmem>>, vector<1x16xf32>,
      %swap3A_62 = arith.index_cast %scan3A_56 : i32 to index
      %swap3A_63 = arith.constant 16 : index
      %swap3A_64 = tpu.vector_load %arg8[%swap3A_62, %swap3A_63] {strides = array<i32>} : memref<128x128xf32, #tpu.memory_space<vmem>>, vector<1x16xf32>,
      %swap3A_65 = vector.shape_cast %swap3A_64 : vector<1x16xf32> to vector<16xf32>
      %swap3A_66 = vector.shape_cast %broadcast_in_dim3A_1 : vector<16xf32> to vector<1x16xf32>
      tpu.vector_store %arg8[%swap3A_62, %swap3A_63], %swap3A_66 {strides = array<i32>} : memref<128x128xf32, #tpu.memory_space<vmem>>, vector<1x16xf32>,
      %swap3A_67 = arith.index_cast %scan3A_56 : i32 to index
      %swap3A_68 = arith.constant 32 : index
      %swap3A_69 = tpu.vector_load %arg8[%swap3A_67, %swap3A_68] {strides = array<i32>} : memref<128x128xf32, #tpu.memory_space<vmem>>, vector<1x16xf32>,
      %swap3A_70 = vector.shape_cast %swap3A_69 : vector<1x16xf32> to vector<16xf32>
      %swap3A_71 = vector.shape_cast %broadcast_in_dim3A_1 : vector<16xf32> to vector<1x16xf32>
      tpu.vector_store %arg8[%swap3A_67, %swap3A_68], %swap3A_71 {strides = array<i32>} : memref<128x128xf32, #tpu.memory_space<vmem>>, vector<1x16xf32>,
      %swap3A_72 = arith.index_cast %scan3A_56 : i32 to index
      %swap3A_73 = arith.constant 48 : index
      %swap3A_74 = tpu.vector_load %arg8[%swap3A_72, %swap3A_73] {strides = array<i32>} : memref<128x128xf32, #tpu.memory_space<vmem>>, vector<1x16xf32>,
      %swap3A_75 = vector.shape_cast %swap3A_74 : vector<1x16xf32> to vector<16xf32>
      %swap3A_76 = vector.shape_cast %broadcast_in_dim3A_1 : vector<16xf32> to vector<1x16xf32>
      tpu.vector_store %arg8[%swap3A_72, %swap3A_73], %swap3A_76 {strides = array<i32>} : memref<128x128xf32, #tpu.memory_space<vmem>>, vector<1x16xf32>,
      %swap3A_77 = arith.index_cast %scan3A_56 : i32 to index
      %swap3A_78 = arith.constant 64 : index
      %swap3A_79 = tpu.vector_load %arg8[%swap3A_77, %swap3A_78] {strides = array<i32>} : memref<128x128xf32, #tpu.memory_space<vmem>>, vector<1x16xf32>,
      %swap3A_80 = vector.shape_cast %swap3A_79 : vector<1x16xf32> to vector<16xf32>
      %swap3A_81 = vector.shape_cast %broadcast_in_dim3A_1 : vector<16xf32> to vector<1x16xf32>
      tpu.vector_store %arg8[%swap3A_77, %swap3A_78], %swap3A_81 {strides = array<i32>} : memref<128x128xf32, #tpu.memory_space<vmem>>, vector<1x16xf32>,
      %swap3A_82 = arith.index_cast %scan3A_56 : i32 to index
      %swap3A_83 = arith.constant 80 : index
      %swap3A_84 = tpu.vector_load %arg8[%swap3A_82, %swap3A_83] {strides = array<i32>} : memref<128x128xf32, #tpu.memory_space<vmem>>, vector<1x16xf32>,
      %swap3A_85 = vector.shape_cast %swap3A_84 : vector<1x16xf32> to vector<16xf32>
      %swap3A_86 = vector.shape_cast %broadcast_in_dim3A_1 : vector<16xf32> to vector<1x16xf32>
      tpu.vector_store %arg8[%swap3A_82, %swap3A_83], %swap3A_86 {strides = array<i32>} : memref<128x128xf32, #tpu.memory_space<vmem>>, vector<1x16xf32>,
      %swap3A_87 = arith.index_cast %scan3A_56 : i32 to index
      %swap3A_88 = arith.constant 96 : index
      %swap3A_89 = tpu.vector_load %arg8[%swap3A_87, %swap3A_88] {strides = array<i32>} : memref<128x128xf32, #tpu.memory_space<vmem>>, vector<1x16xf32>,
      %swap3A_90 = vector.shape_cast %swap3A_89 : vector<1x16xf32> to vector<16xf32>
      %swap3A_91 = vector.shape_cast %broadcast_in_dim3A_1 : vector<16xf32> to vector<1x16xf32>
      tpu.vector_store %arg8[%swap3A_87, %swap3A_88], %swap3A_91 {strides = array<i32>} : memref<128x128xf32, #tpu.memory_space<vmem>>, vector<1x16xf32>,
      %swap3A_92 = arith.index_cast %scan3A_56 : i32 to index
      %swap3A_93 = arith.constant 112 : index
      %swap3A_94 = tpu.vector_load %arg8[%swap3A_92, %swap3A_93] {strides = array<i32>} : memref<128x128xf32, #tpu.memory_space<vmem>>, vector<1x16xf32>,
      %swap3A_95 = vector.shape_cast %swap3A_94 : vector<1x16xf32> to vector<16xf32>
      %swap3A_96 = vector.shape_cast %broadcast_in_dim3A_1 : vector<16xf32> to vector<1x16xf32>
      tpu.vector_store %arg8[%swap3A_92, %swap3A_93], %swap3A_96 {strides = array<i32>} : memref<128x128xf32, #tpu.memory_space<vmem>>, vector<1x16xf32>,
      %scan3A_97 = arith.constant 0 : i32
      scf.yield %scan3A_97 : i32
    }
    %scan3A_7 = arith.constant 128 : i32
    %mul3A_8 = arith.constant 640 : i32
    %mul3A_9 = arith.muli %arg1, %mul3A_8 : i32
    %add3A_10 = arith.constant 0 : i32
    %add3A_11 = arith.addi %mul3A_9, %add3A_10 : i32
    "tpu.region"() ({
      %run_scoped3A = tpu.sem_alloc : memref<!tpu.dma_semaphore, #tpu.memory_space<semaphore_mem>>
      %dma_start3A = arith.constant 0 : i32
      %dma_start3A_56 = tpu.memref_slice %arg9[%add3A_11, %dma_start3A] : memref<10240x128xf32, #tpu.memory_space<vmem_shared>> -> memref<128x128xf32, #tpu.memory_space<vmem_shared>>
      %dma_start3A_57 = arith.constant 0 : i32
      %dma_start3A_58 = tpu.memref_slice %arg9[%add3A_11, %dma_start3A_57] : memref<10240x128xf32, #tpu.memory_space<vmem_shared>> -> memref<128x128xf32, #tpu.memory_space<vmem_shared>>
      tpu.enqueue_dma source(%arg8 : memref<128x128xf32, #tpu.memory_space<vmem>>) target(%dma_start3A_58 : memref<128x128xf32, #tpu.memory_space<vmem_shared>>) target_semaphore(%run_scoped3A : memref<!tpu.dma_semaphore, #tpu.memory_space<semaphore_mem>>)
      %dma_wait3A = arith.constant 0 : i32
      %dma_wait3A_59 = tpu.memref_slice %arg9[%add3A_11, %dma_wait3A] : memref<10240x128xf32, #tpu.memory_space<vmem_shared>> -> memref<128x128xf32, #tpu.memory_space<vmem_shared>>
      %dma_wait3A_60 = arith.constant 0 : i32
      %dma_wait3A_61 = tpu.memref_slice %arg9[%add3A_11, %dma_wait3A_60] : memref<10240x128xf32, #tpu.memory_space<vmem_shared>> -> memref<128x128xf32, #tpu.memory_space<vmem_shared>>
      tpu.wait_dma2 semaphore(%run_scoped3A : memref<!tpu.dma_semaphore, #tpu.memory_space<semaphore_mem>>) src(%arg8 : memref<128x128xf32, #tpu.memory_space<vmem>>) dst(%dma_wait3A_61 : memref<128x128xf32, #tpu.memory_space<vmem_shared>>)
      tpu.yield
    }) : () -> ()
    %mul3A_12 = arith.constant 640 : i32
    %mul3A_13 = arith.muli %arg1, %mul3A_12 : i32
    %add3A_14 = arith.constant 128 : i32
    %add3A_15 = arith.addi %mul3A_13, %add3A_14 : i32
    "tpu.region"() ({
      %run_scoped3A = tpu.sem_alloc : memref<!tpu.dma_semaphore, #tpu.memory_space<semaphore_mem>>
      %dma_start3A = arith.constant 0 : i32
      %dma_start3A_56 = tpu.memref_slice %arg9[%add3A_15, %dma_start3A] : memref<10240x128xf32, #tpu.memory_space<vmem_shared>> -> memref<128x128xf32, #tpu.memory_space<vmem_shared>>
      %dma_start3A_57 = arith.constant 0 : i32
      %dma_start3A_58 = tpu.memref_slice %arg9[%add3A_15, %dma_start3A_57] : memref<10240x128xf32, #tpu.memory_space<vmem_shared>> -> memref<128x128xf32, #tpu.memory_space<vmem_shared>>
      tpu.enqueue_dma source(%arg8 : memref<128x128xf32, #tpu.memory_space<vmem>>) target(%dma_start3A_58 : memref<128x128xf32, #tpu.memory_space<vmem_shared>>) target_semaphore(%run_scoped3A : memref<!tpu.dma_semaphore, #tpu.memory_space<semaphore_mem>>)
      %dma_wait3A = arith.constant 0 : i32
      %dma_wait3A_59 = tpu.memref_slice %arg9[%add3A_15, %dma_wait3A] : memref<10240x128xf32, #tpu.memory_space<vmem_shared>> -> memref<128x128xf32, #tpu.memory_space<vmem_shared>>
      %dma_wait3A_60 = arith.constant 0 : i32
      %dma_wait3A_61 = tpu.memref_slice %arg9[%add3A_15, %dma_wait3A_60] : memref<10240x128xf32, #tpu.memory_space<vmem_shared>> -> memref<128x128xf32, #tpu.memory_space<vmem_shared>>
      tpu.wait_dma2 semaphore(%run_scoped3A : memref<!tpu.dma_semaphore, #tpu.memory_space<semaphore_mem>>) src(%arg8 : memref<128x128xf32, #tpu.memory_space<vmem>>) dst(%dma_wait3A_61 : memref<128x128xf32, #tpu.memory_space<vmem_shared>>)
      tpu.yield
    }) : () -> ()
    %mul3A_16 = arith.constant 640 : i32
    %mul3A_17 = arith.muli %arg1, %mul3A_16 : i32
    %add3A_18 = arith.constant 256 : i32
    %add3A_19 = arith.addi %mul3A_17, %add3A_18 : i32
    "tpu.region"() ({
      %run_scoped3A = tpu.sem_alloc : memref<!tpu.dma_semaphore, #tpu.memory_space<semaphore_mem>>
      %dma_start3A = arith.constant 0 : i32
      %dma_start3A_56 = tpu.memref_slice %arg9[%add3A_19, %dma_start3A] : memref<10240x128xf32, #tpu.memory_space<vmem_shared>> -> memref<128x128xf32, #tpu.memory_space<vmem_shared>>
      %dma_start3A_57 = arith.constant 0 : i32
      %dma_start3A_58 = tpu.memref_slice %arg9[%add3A_19, %dma_start3A_57] : memref<10240x128xf32, #tpu.memory_space<vmem_shared>> -> memref<128x128xf32, #tpu.memory_space<vmem_shared>>
      tpu.enqueue_dma source(%arg8 : memref<128x128xf32, #tpu.memory_space<vmem>>) target(%dma_start3A_58 : memref<128x128xf32, #tpu.memory_space<vmem_shared>>) target_semaphore(%run_scoped3A : memref<!tpu.dma_semaphore, #tpu.memory_space<semaphore_mem>>)
      %dma_wait3A = arith.constant 0 : i32
      %dma_wait3A_59 = tpu.memref_slice %arg9[%add3A_19, %dma_wait3A] : memref<10240x128xf32, #tpu.memory_space<vmem_shared>> -> memref<128x128xf32, #tpu.memory_space<vmem_shared>>
      %dma_wait3A_60 = arith.constant 0 : i32
      %dma_wait3A_61 = tpu.memref_slice %arg9[%add3A_19, %dma_wait3A_60] : memref<10240x128xf32, #tpu.memory_space<vmem_shared>> -> memref<128x128xf32, #tpu.memory_space<vmem_shared>>
      tpu.wait_dma2 semaphore(%run_scoped3A : memref<!tpu.dma_semaphore, #tpu.memory_space<semaphore_mem>>) src(%arg8 : memref<128x128xf32, #tpu.memory_space<vmem>>) dst(%dma_wait3A_61 : memref<128x128xf32, #tpu.memory_space<vmem_shared>>)
      tpu.yield
    }) : () -> ()
    %mul3A_20 = arith.constant 640 : i32
    %mul3A_21 = arith.muli %arg1, %mul3A_20 : i32
    %add3A_22 = arith.constant 384 : i32
    %add3A_23 = arith.addi %mul3A_21, %add3A_22 : i32
    "tpu.region"() ({
      %run_scoped3A = tpu.sem_alloc : memref<!tpu.dma_semaphore, #tpu.memory_space<semaphore_mem>>
      %dma_start3A = arith.constant 0 : i32
      %dma_start3A_56 = tpu.memref_slice %arg9[%add3A_23, %dma_start3A] : memref<10240x128xf32, #tpu.memory_space<vmem_shared>> -> memref<128x128xf32, #tpu.memory_space<vmem_shared>>
      %dma_start3A_57 = arith.constant 0 : i32
      %dma_start3A_58 = tpu.memref_slice %arg9[%add3A_23, %dma_start3A_57] : memref<10240x128xf32, #tpu.memory_space<vmem_shared>> -> memref<128x128xf32, #tpu.memory_space<vmem_shared>>
      tpu.enqueue_dma source(%arg8 : memref<128x128xf32, #tpu.memory_space<vmem>>) target(%dma_start3A_58 : memref<128x128xf32, #tpu.memory_space<vmem_shared>>) target_semaphore(%run_scoped3A : memref<!tpu.dma_semaphore, #tpu.memory_space<semaphore_mem>>)
      %dma_wait3A = arith.constant 0 : i32
      %dma_wait3A_59 = tpu.memref_slice %arg9[%add3A_23, %dma_wait3A] : memref<10240x128xf32, #tpu.memory_space<vmem_shared>> -> memref<128x128xf32, #tpu.memory_space<vmem_shared>>
      %dma_wait3A_60 = arith.constant 0 : i32
      %dma_wait3A_61 = tpu.memref_slice %arg9[%add3A_23, %dma_wait3A_60] : memref<10240x128xf32, #tpu.memory_space<vmem_shared>> -> memref<128x128xf32, #tpu.memory_space<vmem_shared>>
      tpu.wait_dma2 semaphore(%run_scoped3A : memref<!tpu.dma_semaphore, #tpu.memory_space<semaphore_mem>>) src(%arg8 : memref<128x128xf32, #tpu.memory_space<vmem>>) dst(%dma_wait3A_61 : memref<128x128xf32, #tpu.memory_space<vmem_shared>>)
      tpu.yield
    }) : () -> ()
    %mul3A_24 = arith.constant 640 : i32
    %mul3A_25 = arith.muli %arg1, %mul3A_24 : i32
    %add3A_26 = arith.constant 512 : i32
    %add3A_27 = arith.addi %mul3A_25, %add3A_26 : i32
    "tpu.region"() ({
      %run_scoped3A = tpu.sem_alloc : memref<!tpu.dma_semaphore, #tpu.memory_space<semaphore_mem>>
      %dma_start3A = arith.constant 0 : i32
      %dma_start3A_56 = tpu.memref_slice %arg9[%add3A_27, %dma_start3A] : memref<10240x128xf32, #tpu.memory_space<vmem_shared>> -> memref<128x128xf32, #tpu.memory_space<vmem_shared>>
      %dma_start3A_57 = arith.constant 0 : i32
      %dma_start3A_58 = tpu.memref_slice %arg9[%add3A_27, %dma_start3A_57] : memref<10240x128xf32, #tpu.memory_space<vmem_shared>> -> memref<128x128xf32, #tpu.memory_space<vmem_shared>>
      tpu.enqueue_dma source(%arg8 : memref<128x128xf32, #tpu.memory_space<vmem>>) target(%dma_start3A_58 : memref<128x128xf32, #tpu.memory_space<vmem_shared>>) target_semaphore(%run_scoped3A : memref<!tpu.dma_semaphore, #tpu.memory_space<semaphore_mem>>)
      %dma_wait3A = arith.constant 0 : i32
      %dma_wait3A_59 = tpu.memref_slice %arg9[%add3A_27, %dma_wait3A] : memref<10240x128xf32, #tpu.memory_space<vmem_shared>> -> memref<128x128xf32, #tpu.memory_space<vmem_shared>>
      %dma_wait3A_60 = arith.constant 0 : i32
      %dma_wait3A_61 = tpu.memref_slice %arg9[%add3A_27, %dma_wait3A_60] : memref<10240x128xf32, #tpu.memory_space<vmem_shared>> -> memref<128x128xf32, #tpu.memory_space<vmem_shared>>
      tpu.wait_dma2 semaphore(%run_scoped3A : memref<!tpu.dma_semaphore, #tpu.memory_space<semaphore_mem>>) src(%arg8 : memref<128x128xf32, #tpu.memory_space<vmem>>) dst(%dma_wait3A_61 : memref<128x128xf32, #tpu.memory_space<vmem_shared>>)
      tpu.yield
    }) : () -> ()
    %barrier3A = arith.constant 0 : index
    tpu.barrier barrier_id(%barrier3A)
    %scan3A_28 = arith.constant 0 : i32
    %scan3A_29 = arith.constant 0 : i32
    %scan3A_30 = arith.constant 79 : i32
    %scan3A_31 = arith.addi %scan3A_29, %scan3A_30 : i32
    %scan3A_32 = arith.constant 1 : i32
    %scan3A_33 = scf.for %scan3A_56 = %scan3A_29 to %scan3A_31 step %scan3A_32 iter_args(%scan3A_57 = %scan3A_28) -> (i32)  : i32 {
      %mul3A_58 = arith.constant 79 : i32
      %mul3A_59 = arith.muli %add3A, %mul3A_58 : i32
      %add3A_60 = arith.addi %mul3A_59, %scan3A_56 : i32
      "tpu.region"() ({
        %run_scoped3A = tpu.sem_alloc : memref<!tpu.dma_semaphore, #tpu.memory_space<semaphore_mem>>
        %dma_start3A_66 = arith.constant 0 : i32
        %dma_start3A_67 = tpu.memref_slice %arg3[%add3A_60, %dma_start3A_66] : memref<2528x128xi32, #tpu.memory_space<hbm>> -> memref<1x128xi32, #tpu.memory_space<hbm>>
        %dma_start3A_68 = tpu.memref_squeeze %dma_start3A_67 : memref<1x128xi32, #tpu.memory_space<hbm>> -> memref<128xi32, #tpu.memory_space<hbm>>
        %dma_start3A_69 = arith.constant 0 : i32
        %dma_start3A_70 = tpu.memref_slice %arg3[%add3A_60, %dma_start3A_69] : memref<2528x128xi32, #tpu.memory_space<hbm>> -> memref<1x128xi32, #tpu.memory_space<hbm>>
        %dma_start3A_71 = tpu.memref_squeeze %dma_start3A_70 : memref<1x128xi32, #tpu.memory_space<hbm>> -> memref<128xi32, #tpu.memory_space<hbm>>
        tpu.enqueue_dma source(%dma_start3A_71 : memref<128xi32, #tpu.memory_space<hbm>>) target(%arg6 : memref<128xi32, #tpu.memory_space<vmem>>) target_semaphore(%run_scoped3A : memref<!tpu.dma_semaphore, #tpu.memory_space<semaphore_mem>>)
        %dma_wait3A_72 = arith.constant 0 : i32
        %dma_wait3A_73 = tpu.memref_slice %arg3[%add3A_60, %dma_wait3A_72] : memref<2528x128xi32, #tpu.memory_space<hbm>> -> memref<1x128xi32, #tpu.memory_space<hbm>>
        %dma_wait3A_74 = tpu.memref_squeeze %dma_wait3A_73 : memref<1x128xi32, #tpu.memory_space<hbm>> -> memref<128xi32, #tpu.memory_space<hbm>>
        %dma_wait3A_75 = arith.constant 0 : i32
        %dma_wait3A_76 = tpu.memref_slice %arg3[%add3A_60, %dma_wait3A_75] : memref<2528x128xi32, #tpu.memory_space<hbm>> -> memref<1x128xi32, #tpu.memory_space<hbm>>
        %dma_wait3A_77 = tpu.memref_squeeze %dma_wait3A_76 : memref<1x128xi32, #tpu.memory_space<hbm>> -> memref<128xi32, #tpu.memory_space<hbm>>
        tpu.wait_dma2 semaphore(%run_scoped3A : memref<!tpu.dma_semaphore, #tpu.memory_space<semaphore_mem>>) src(%dma_wait3A_77 : memref<128xi32, #tpu.memory_space<hbm>>) dst(%arg6 : memref<128xi32, #tpu.memory_space<vmem>>)
        tpu.yield
      }) : () -> ()
      "tpu.region"() ({
        %run_scoped3A = tpu.sem_alloc : memref<!tpu.dma_semaphore, #tpu.memory_space<semaphore_mem>>
        %dma_start3A_66 = arith.constant 0 : i32
        %dma_start3A_67 = tpu.memref_slice %arg4[%add3A_60, %dma_start3A_66] : memref<2528x128xi32, #tpu.memory_space<hbm>> -> memref<1x128xi32, #tpu.memory_space<hbm>>
        %dma_start3A_68 = tpu.memref_squeeze %dma_start3A_67 : memref<1x128xi32, #tpu.memory_space<hbm>> -> memref<128xi32, #tpu.memory_space<hbm>>
        %dma_start3A_69 = arith.constant 0 : i32
        %dma_start3A_70 = tpu.memref_slice %arg4[%add3A_60, %dma_start3A_69] : memref<2528x128xi32, #tpu.memory_space<hbm>> -> memref<1x128xi32, #tpu.memory_space<hbm>>
        %dma_start3A_71 = tpu.memref_squeeze %dma_start3A_70 : memref<1x128xi32, #tpu.memory_space<hbm>> -> memref<128xi32, #tpu.memory_space<hbm>>
        tpu.enqueue_dma source(%dma_start3A_71 : memref<128xi32, #tpu.memory_space<hbm>>) target(%arg7 : memref<128xi32, #tpu.memory_space<vmem>>) target_semaphore(%run_scoped3A : memref<!tpu.dma_semaphore, #tpu.memory_space<semaphore_mem>>)
        %dma_wait3A_72 = arith.constant 0 : i32
        %dma_wait3A_73 = tpu.memref_slice %arg4[%add3A_60, %dma_wait3A_72] : memref<2528x128xi32, #tpu.memory_space<hbm>> -> memref<1x128xi32, #tpu.memory_space<hbm>>
        %dma_wait3A_74 = tpu.memref_squeeze %dma_wait3A_73 : memref<1x128xi32, #tpu.memory_space<hbm>> -> memref<128xi32, #tpu.memory_space<hbm>>
        %dma_wait3A_75 = arith.constant 0 : i32
        %dma_wait3A_76 = tpu.memref_slice %arg4[%add3A_60, %dma_wait3A_75] : memref<2528x128xi32, #tpu.memory_space<hbm>> -> memref<1x128xi32, #tpu.memory_space<hbm>>
        %dma_wait3A_77 = tpu.memref_squeeze %dma_wait3A_76 : memref<1x128xi32, #tpu.memory_space<hbm>> -> memref<128xi32, #tpu.memory_space<hbm>>
        tpu.wait_dma2 semaphore(%run_scoped3A : memref<!tpu.dma_semaphore, #tpu.memory_space<semaphore_mem>>) src(%dma_wait3A_77 : memref<128xi32, #tpu.memory_space<hbm>>) dst(%arg7 : memref<128xi32, #tpu.memory_space<vmem>>)
        tpu.yield
      }) : () -> ()
      %dma_start3A = arith.constant 0 : i32
      %dma_start3A_61 = arith.constant 0 : i32
      %dma_start3A_62 = tpu.memref_slice %arg2[%dma_start3A, %dma_start3A_61] : memref<10240x128xf32, #tpu.memory_space<hbm>> -> memref<10240x128xf32, #tpu.memory_space<hbm>>
      tpu.enqueue_indirect_dma source(%dma_start3A_62 : memref<10240x128xf32, #tpu.memory_space<hbm>>) target(%arg8 : memref<128x128xf32, #tpu.memory_space<vmem>>) offsets(%arg6 : memref<128xi32, #tpu.memory_space<vmem>>) semaphore(%arg10 : memref<!tpu.dma_semaphore, #tpu.memory_space<semaphore_mem>>)
      %dma_wait3A = arith.constant 0 : i32
      %dma_wait3A_63 = arith.constant 0 : i32
      %dma_wait3A_64 = tpu.memref_slice %arg2[%dma_wait3A, %dma_wait3A_63] : memref<10240x128xf32, #tpu.memory_space<hbm>> -> memref<10240x128xf32, #tpu.memory_space<hbm>>
      tpu.wait_indirect_dma semaphore(%arg10 : memref<!tpu.dma_semaphore, #tpu.memory_space<semaphore_mem>>) src(%dma_wait3A_64 : memref<10240x128xf32, #tpu.memory_space<hbm>>) dst(%arg8 : memref<128x128xf32, #tpu.memory_space<vmem>>)
      "tpu.region"() ({
        %run_scoped3A = tpu.sem_alloc : memref<!tpu.dma_semaphore, #tpu.memory_space<semaphore_mem>>
        %dma_start3A_66 = arith.constant 0 : i32
        %dma_start3A_67 = arith.constant 0 : i32
        %dma_start3A_68 = tpu.memref_slice %arg9[%dma_start3A_66, %dma_start3A_67] : memref<10240x128xf32, #tpu.memory_space<vmem_shared>> -> memref<10240x128xf32, #tpu.memory_space<vmem_shared>>
        tpu.enqueue_indirect_dma source(%arg8 : memref<128x128xf32, #tpu.memory_space<vmem>>) target(%dma_start3A_68 : memref<10240x128xf32, #tpu.memory_space<vmem_shared>>) offsets(%arg7 : memref<128xi32, #tpu.memory_space<vmem>>) semaphore(%run_scoped3A : memref<!tpu.dma_semaphore, #tpu.memory_space<semaphore_mem>>) {add = true}
        %dma_wait3A_69 = arith.constant 0 : i32
        %dma_wait3A_70 = arith.constant 0 : i32
        %dma_wait3A_71 = tpu.memref_slice %arg9[%dma_wait3A_69, %dma_wait3A_70] : memref<10240x128xf32, #tpu.memory_space<vmem_shared>> -> memref<10240x128xf32, #tpu.memory_space<vmem_shared>>
        tpu.wait_indirect_dma semaphore(%run_scoped3A : memref<!tpu.dma_semaphore, #tpu.memory_space<semaphore_mem>>) src(%arg8 : memref<128x128xf32, #tpu.memory_space<vmem>>) dst(%dma_wait3A_71 : memref<10240x128xf32, #tpu.memory_space<vmem_shared>>)
        tpu.yield
      }) : () -> ()
      %scan3A_65 = arith.constant 0 : i32
      scf.yield %scan3A_65 : i32
    }
    %scan3A_34 = arith.constant 79 : i32
    %barrier3A_35 = arith.constant 0 : index
    tpu.barrier barrier_id(%barrier3A_35)
    %mul3A_36 = arith.constant 640 : i32
    %mul3A_37 = arith.muli %arg1, %mul3A_36 : i32
    %add3A_38 = arith.constant 0 : i32
    %add3A_39 = arith.addi %mul3A_37, %add3A_38 : i32
    "tpu.region"() ({
      %run_scoped3A = tpu.sem_alloc : memref<!tpu.dma_semaphore, #tpu.memory_space<semaphore_mem>>
      %dma_start3A = arith.constant 0 : i32
      %dma_start3A_56 = tpu.memref_slice %arg9[%add3A_39, %dma_start3A] : memref<10240x128xf32, #tpu.memory_space<vmem_shared>> -> memref<128x128xf32, #tpu.memory_space<vmem_shared>>
      %dma_start3A_57 = arith.constant 0 : i32
      %dma_start3A_58 = tpu.memref_slice %arg9[%add3A_39, %dma_start3A_57] : memref<10240x128xf32, #tpu.memory_space<vmem_shared>> -> memref<128x128xf32, #tpu.memory_space<vmem_shared>>
      tpu.enqueue_dma source(%dma_start3A_58 : memref<128x128xf32, #tpu.memory_space<vmem_shared>>) target(%arg8 : memref<128x128xf32, #tpu.memory_space<vmem>>) target_semaphore(%run_scoped3A : memref<!tpu.dma_semaphore, #tpu.memory_space<semaphore_mem>>)
      %dma_wait3A = arith.constant 0 : i32
      %dma_wait3A_59 = tpu.memref_slice %arg9[%add3A_39, %dma_wait3A] : memref<10240x128xf32, #tpu.memory_space<vmem_shared>> -> memref<128x128xf32, #tpu.memory_space<vmem_shared>>
      %dma_wait3A_60 = arith.constant 0 : i32
      %dma_wait3A_61 = tpu.memref_slice %arg9[%add3A_39, %dma_wait3A_60] : memref<10240x128xf32, #tpu.memory_space<vmem_shared>> -> memref<128x128xf32, #tpu.memory_space<vmem_shared>>
      tpu.wait_dma2 semaphore(%run_scoped3A : memref<!tpu.dma_semaphore, #tpu.memory_space<semaphore_mem>>) src(%dma_wait3A_61 : memref<128x128xf32, #tpu.memory_space<vmem_shared>>) dst(%arg8 : memref<128x128xf32, #tpu.memory_space<vmem>>)
      tpu.yield
    }) : () -> ()
    "tpu.region"() ({
      %run_scoped3A = tpu.sem_alloc : memref<!tpu.dma_semaphore, #tpu.memory_space<semaphore_mem>>
      %dma_start3A = arith.constant 0 : i32
      %dma_start3A_56 = tpu.memref_slice %arg5[%arg0, %add3A_39, %dma_start3A] : memref<2x10240x128xf32, #tpu.memory_space<hbm>> -> memref<1x128x128xf32, #tpu.memory_space<hbm>>
      %dma_start3A_57 = tpu.memref_squeeze %dma_start3A_56 : memref<1x128x128xf32, #tpu.memory_space<hbm>> -> memref<128x128xf32, #tpu.memory_space<hbm>>
      %dma_start3A_58 = arith.constant 0 : i32
      %dma_start3A_59 = tpu.memref_slice %arg5[%arg0, %add3A_39, %dma_start3A_58] : memref<2x10240x128xf32, #tpu.memory_space<hbm>> -> memref<1x128x128xf32, #tpu.memory_space<hbm>>
      %dma_start3A_60 = tpu.memref_squeeze %dma_start3A_59 : memref<1x128x128xf32, #tpu.memory_space<hbm>> -> memref<128x128xf32, #tpu.memory_space<hbm>>
      tpu.enqueue_dma source(%arg8 : memref<128x128xf32, #tpu.memory_space<vmem>>) target(%dma_start3A_60 : memref<128x128xf32, #tpu.memory_space<hbm>>) target_semaphore(%run_scoped3A : memref<!tpu.dma_semaphore, #tpu.memory_space<semaphore_mem>>)
      %dma_wait3A = arith.constant 0 : i32
      %dma_wait3A_61 = tpu.memref_slice %arg5[%arg0, %add3A_39, %dma_wait3A] : memref<2x10240x128xf32, #tpu.memory_space<hbm>> -> memref<1x128x128xf32, #tpu.memory_space<hbm>>
      %dma_wait3A_62 = tpu.memref_squeeze %dma_wait3A_61 : memref<1x128x128xf32, #tpu.memory_space<hbm>> -> memref<128x128xf32, #tpu.memory_space<hbm>>
      %dma_wait3A_63 = arith.constant 0 : i32
      %dma_wait3A_64 = tpu.memref_slice %arg5[%arg0, %add3A_39, %dma_wait3A_63] : memref<2x10240x128xf32, #tpu.memory_space<hbm>> -> memref<1x128x128xf32, #tpu.memory_space<hbm>>
      %dma_wait3A_65 = tpu.memref_squeeze %dma_wait3A_64 : memref<1x128x128xf32, #tpu.memory_space<hbm>> -> memref<128x128xf32, #tpu.memory_space<hbm>>
      tpu.wait_dma2 semaphore(%run_scoped3A : memref<!tpu.dma_semaphore, #tpu.memory_space<semaphore_mem>>) src(%arg8 : memref<128x128xf32, #tpu.memory_space<vmem>>) dst(%dma_wait3A_65 : memref<128x128xf32, #tpu.memory_space<hbm>>)
      tpu.yield
    }) : () -> ()
    %mul3A_40 = arith.constant 640 : i32
    %mul3A_41 = arith.muli %arg1, %mul3A_40 : i32
    %add3A_42 = arith.constant 128 : i32
    %add3A_43 = arith.addi %mul3A_41, %add3A_42 : i32
    "tpu.region"() ({
      %run_scoped3A = tpu.sem_alloc : memref<!tpu.dma_semaphore, #tpu.memory_space<semaphore_mem>>
      %dma_start3A = arith.constant 0 : i32
      %dma_start3A_56 = tpu.memref_slice %arg9[%add3A_43, %dma_start3A] : memref<10240x128xf32, #tpu.memory_space<vmem_shared>> -> memref<128x128xf32, #tpu.memory_space<vmem_shared>>
      %dma_start3A_57 = arith.constant 0 : i32
      %dma_start3A_58 = tpu.memref_slice %arg9[%add3A_43, %dma_start3A_57] : memref<10240x128xf32, #tpu.memory_space<vmem_shared>> -> memref<128x128xf32, #tpu.memory_space<vmem_shared>>
      tpu.enqueue_dma source(%dma_start3A_58 : memref<128x128xf32, #tpu.memory_space<vmem_shared>>) target(%arg8 : memref<128x128xf32, #tpu.memory_space<vmem>>) target_semaphore(%run_scoped3A : memref<!tpu.dma_semaphore, #tpu.memory_space<semaphore_mem>>)
      %dma_wait3A = arith.constant 0 : i32
      %dma_wait3A_59 = tpu.memref_slice %arg9[%add3A_43, %dma_wait3A] : memref<10240x128xf32, #tpu.memory_space<vmem_shared>> -> memref<128x128xf32, #tpu.memory_space<vmem_shared>>
      %dma_wait3A_60 = arith.constant 0 : i32
      %dma_wait3A_61 = tpu.memref_slice %arg9[%add3A_43, %dma_wait3A_60] : memref<10240x128xf32, #tpu.memory_space<vmem_shared>> -> memref<128x128xf32, #tpu.memory_space<vmem_shared>>
      tpu.wait_dma2 semaphore(%run_scoped3A : memref<!tpu.dma_semaphore, #tpu.memory_space<semaphore_mem>>) src(%dma_wait3A_61 : memref<128x128xf32, #tpu.memory_space<vmem_shared>>) dst(%arg8 : memref<128x128xf32, #tpu.memory_space<vmem>>)
      tpu.yield
    }) : () -> ()
    "tpu.region"() ({
      %run_scoped3A = tpu.sem_alloc : memref<!tpu.dma_semaphore, #tpu.memory_space<semaphore_mem>>
      %dma_start3A = arith.constant 0 : i32
      %dma_start3A_56 = tpu.memref_slice %arg5[%arg0, %add3A_43, %dma_start3A] : memref<2x10240x128xf32, #tpu.memory_space<hbm>> -> memref<1x128x128xf32, #tpu.memory_space<hbm>>
      %dma_start3A_57 = tpu.memref_squeeze %dma_start3A_56 : memref<1x128x128xf32, #tpu.memory_space<hbm>> -> memref<128x128xf32, #tpu.memory_space<hbm>>
      %dma_start3A_58 = arith.constant 0 : i32
      %dma_start3A_59 = tpu.memref_slice %arg5[%arg0, %add3A_43, %dma_start3A_58] : memref<2x10240x128xf32, #tpu.memory_space<hbm>> -> memref<1x128x128xf32, #tpu.memory_space<hbm>>
      %dma_start3A_60 = tpu.memref_squeeze %dma_start3A_59 : memref<1x128x128xf32, #tpu.memory_space<hbm>> -> memref<128x128xf32, #tpu.memory_space<hbm>>
      tpu.enqueue_dma source(%arg8 : memref<128x128xf32, #tpu.memory_space<vmem>>) target(%dma_start3A_60 : memref<128x128xf32, #tpu.memory_space<hbm>>) target_semaphore(%run_scoped3A : memref<!tpu.dma_semaphore, #tpu.memory_space<semaphore_mem>>)
      %dma_wait3A = arith.constant 0 : i32
      %dma_wait3A_61 = tpu.memref_slice %arg5[%arg0, %add3A_43, %dma_wait3A] : memref<2x10240x128xf32, #tpu.memory_space<hbm>> -> memref<1x128x128xf32, #tpu.memory_space<hbm>>
      %dma_wait3A_62 = tpu.memref_squeeze %dma_wait3A_61 : memref<1x128x128xf32, #tpu.memory_space<hbm>> -> memref<128x128xf32, #tpu.memory_space<hbm>>
      %dma_wait3A_63 = arith.constant 0 : i32
      %dma_wait3A_64 = tpu.memref_slice %arg5[%arg0, %add3A_43, %dma_wait3A_63] : memref<2x10240x128xf32, #tpu.memory_space<hbm>> -> memref<1x128x128xf32, #tpu.memory_space<hbm>>
      %dma_wait3A_65 = tpu.memref_squeeze %dma_wait3A_64 : memref<1x128x128xf32, #tpu.memory_space<hbm>> -> memref<128x128xf32, #tpu.memory_space<hbm>>
      tpu.wait_dma2 semaphore(%run_scoped3A : memref<!tpu.dma_semaphore, #tpu.memory_space<semaphore_mem>>) src(%arg8 : memref<128x128xf32, #tpu.memory_space<vmem>>) dst(%dma_wait3A_65 : memref<128x128xf32, #tpu.memory_space<hbm>>)
      tpu.yield
    }) : () -> ()
    %mul3A_44 = arith.constant 640 : i32
    %mul3A_45 = arith.muli %arg1, %mul3A_44 : i32
    %add3A_46 = arith.constant 256 : i32
    %add3A_47 = arith.addi %mul3A_45, %add3A_46 : i32
    "tpu.region"() ({
      %run_scoped3A = tpu.sem_alloc : memref<!tpu.dma_semaphore, #tpu.memory_space<semaphore_mem>>
      %dma_start3A = arith.constant 0 : i32
      %dma_start3A_56 = tpu.memref_slice %arg9[%add3A_47, %dma_start3A] : memref<10240x128xf32, #tpu.memory_space<vmem_shared>> -> memref<128x128xf32, #tpu.memory_space<vmem_shared>>
      %dma_start3A_57 = arith.constant 0 : i32
      %dma_start3A_58 = tpu.memref_slice %arg9[%add3A_47, %dma_start3A_57] : memref<10240x128xf32, #tpu.memory_space<vmem_shared>> -> memref<128x128xf32, #tpu.memory_space<vmem_shared>>
      tpu.enqueue_dma source(%dma_start3A_58 : memref<128x128xf32, #tpu.memory_space<vmem_shared>>) target(%arg8 : memref<128x128xf32, #tpu.memory_space<vmem>>) target_semaphore(%run_scoped3A : memref<!tpu.dma_semaphore, #tpu.memory_space<semaphore_mem>>)
      %dma_wait3A = arith.constant 0 : i32
      %dma_wait3A_59 = tpu.memref_slice %arg9[%add3A_47, %dma_wait3A] : memref<10240x128xf32, #tpu.memory_space<vmem_shared>> -> memref<128x128xf32, #tpu.memory_space<vmem_shared>>
      %dma_wait3A_60 = arith.constant 0 : i32
      %dma_wait3A_61 = tpu.memref_slice %arg9[%add3A_47, %dma_wait3A_60] : memref<10240x128xf32, #tpu.memory_space<vmem_shared>> -> memref<128x128xf32, #tpu.memory_space<vmem_shared>>
      tpu.wait_dma2 semaphore(%run_scoped3A : memref<!tpu.dma_semaphore, #tpu.memory_space<semaphore_mem>>) src(%dma_wait3A_61 : memref<128x128xf32, #tpu.memory_space<vmem_shared>>) dst(%arg8 : memref<128x128xf32, #tpu.memory_space<vmem>>)
      tpu.yield
    }) : () -> ()
    "tpu.region"() ({
      %run_scoped3A = tpu.sem_alloc : memref<!tpu.dma_semaphore, #tpu.memory_space<semaphore_mem>>
      %dma_start3A = arith.constant 0 : i32
      %dma_start3A_56 = tpu.memref_slice %arg5[%arg0, %add3A_47, %dma_start3A] : memref<2x10240x128xf32, #tpu.memory_space<hbm>> -> memref<1x128x128xf32, #tpu.memory_space<hbm>>
      %dma_start3A_57 = tpu.memref_squeeze %dma_start3A_56 : memref<1x128x128xf32, #tpu.memory_space<hbm>> -> memref<128x128xf32, #tpu.memory_space<hbm>>
      %dma_start3A_58 = arith.constant 0 : i32
      %dma_start3A_59 = tpu.memref_slice %arg5[%arg0, %add3A_47, %dma_start3A_58] : memref<2x10240x128xf32, #tpu.memory_space<hbm>> -> memref<1x128x128xf32, #tpu.memory_space<hbm>>
      %dma_start3A_60 = tpu.memref_squeeze %dma_start3A_59 : memref<1x128x128xf32, #tpu.memory_space<hbm>> -> memref<128x128xf32, #tpu.memory_space<hbm>>
      tpu.enqueue_dma source(%arg8 : memref<128x128xf32, #tpu.memory_space<vmem>>) target(%dma_start3A_60 : memref<128x128xf32, #tpu.memory_space<hbm>>) target_semaphore(%run_scoped3A : memref<!tpu.dma_semaphore, #tpu.memory_space<semaphore_mem>>)
      %dma_wait3A = arith.constant 0 : i32
      %dma_wait3A_61 = tpu.memref_slice %arg5[%arg0, %add3A_47, %dma_wait3A] : memref<2x10240x128xf32, #tpu.memory_space<hbm>> -> memref<1x128x128xf32, #tpu.memory_space<hbm>>
      %dma_wait3A_62 = tpu.memref_squeeze %dma_wait3A_61 : memref<1x128x128xf32, #tpu.memory_space<hbm>> -> memref<128x128xf32, #tpu.memory_space<hbm>>
      %dma_wait3A_63 = arith.constant 0 : i32
      %dma_wait3A_64 = tpu.memref_slice %arg5[%arg0, %add3A_47, %dma_wait3A_63] : memref<2x10240x128xf32, #tpu.memory_space<hbm>> -> memref<1x128x128xf32, #tpu.memory_space<hbm>>
      %dma_wait3A_65 = tpu.memref_squeeze %dma_wait3A_64 : memref<1x128x128xf32, #tpu.memory_space<hbm>> -> memref<128x128xf32, #tpu.memory_space<hbm>>
      tpu.wait_dma2 semaphore(%run_scoped3A : memref<!tpu.dma_semaphore, #tpu.memory_space<semaphore_mem>>) src(%arg8 : memref<128x128xf32, #tpu.memory_space<vmem>>) dst(%dma_wait3A_65 : memref<128x128xf32, #tpu.memory_space<hbm>>)
      tpu.yield
    }) : () -> ()
    %mul3A_48 = arith.constant 640 : i32
    %mul3A_49 = arith.muli %arg1, %mul3A_48 : i32
    %add3A_50 = arith.constant 384 : i32
    %add3A_51 = arith.addi %mul3A_49, %add3A_50 : i32
    "tpu.region"() ({
      %run_scoped3A = tpu.sem_alloc : memref<!tpu.dma_semaphore, #tpu.memory_space<semaphore_mem>>
      %dma_start3A = arith.constant 0 : i32
      %dma_start3A_56 = tpu.memref_slice %arg9[%add3A_51, %dma_start3A] : memref<10240x128xf32, #tpu.memory_space<vmem_shared>> -> memref<128x128xf32, #tpu.memory_space<vmem_shared>>
      %dma_start3A_57 = arith.constant 0 : i32
      %dma_start3A_58 = tpu.memref_slice %arg9[%add3A_51, %dma_start3A_57] : memref<10240x128xf32, #tpu.memory_space<vmem_shared>> -> memref<128x128xf32, #tpu.memory_space<vmem_shared>>
      tpu.enqueue_dma source(%dma_start3A_58 : memref<128x128xf32, #tpu.memory_space<vmem_shared>>) target(%arg8 : memref<128x128xf32, #tpu.memory_space<vmem>>) target_semaphore(%run_scoped3A : memref<!tpu.dma_semaphore, #tpu.memory_space<semaphore_mem>>)
      %dma_wait3A = arith.constant 0 : i32
      %dma_wait3A_59 = tpu.memref_slice %arg9[%add3A_51, %dma_wait3A] : memref<10240x128xf32, #tpu.memory_space<vmem_shared>> -> memref<128x128xf32, #tpu.memory_space<vmem_shared>>
      %dma_wait3A_60 = arith.constant 0 : i32
      %dma_wait3A_61 = tpu.memref_slice %arg9[%add3A_51, %dma_wait3A_60] : memref<10240x128xf32, #tpu.memory_space<vmem_shared>> -> memref<128x128xf32, #tpu.memory_space<vmem_shared>>
      tpu.wait_dma2 semaphore(%run_scoped3A : memref<!tpu.dma_semaphore, #tpu.memory_space<semaphore_mem>>) src(%dma_wait3A_61 : memref<128x128xf32, #tpu.memory_space<vmem_shared>>) dst(%arg8 : memref<128x128xf32, #tpu.memory_space<vmem>>)
      tpu.yield
    }) : () -> ()
    "tpu.region"() ({
      %run_scoped3A = tpu.sem_alloc : memref<!tpu.dma_semaphore, #tpu.memory_space<semaphore_mem>>
      %dma_start3A = arith.constant 0 : i32
      %dma_start3A_56 = tpu.memref_slice %arg5[%arg0, %add3A_51, %dma_start3A] : memref<2x10240x128xf32, #tpu.memory_space<hbm>> -> memref<1x128x128xf32, #tpu.memory_space<hbm>>
      %dma_start3A_57 = tpu.memref_squeeze %dma_start3A_56 : memref<1x128x128xf32, #tpu.memory_space<hbm>> -> memref<128x128xf32, #tpu.memory_space<hbm>>
      %dma_start3A_58 = arith.constant 0 : i32
      %dma_start3A_59 = tpu.memref_slice %arg5[%arg0, %add3A_51, %dma_start3A_58] : memref<2x10240x128xf32, #tpu.memory_space<hbm>> -> memref<1x128x128xf32, #tpu.memory_space<hbm>>
      %dma_start3A_60 = tpu.memref_squeeze %dma_start3A_59 : memref<1x128x128xf32, #tpu.memory_space<hbm>> -> memref<128x128xf32, #tpu.memory_space<hbm>>
      tpu.enqueue_dma source(%arg8 : memref<128x128xf32, #tpu.memory_space<vmem>>) target(%dma_start3A_60 : memref<128x128xf32, #tpu.memory_space<hbm>>) target_semaphore(%run_scoped3A : memref<!tpu.dma_semaphore, #tpu.memory_space<semaphore_mem>>)
      %dma_wait3A = arith.constant 0 : i32
      %dma_wait3A_61 = tpu.memref_slice %arg5[%arg0, %add3A_51, %dma_wait3A] : memref<2x10240x128xf32, #tpu.memory_space<hbm>> -> memref<1x128x128xf32, #tpu.memory_space<hbm>>
      %dma_wait3A_62 = tpu.memref_squeeze %dma_wait3A_61 : memref<1x128x128xf32, #tpu.memory_space<hbm>> -> memref<128x128xf32, #tpu.memory_space<hbm>>
      %dma_wait3A_63 = arith.constant 0 : i32
      %dma_wait3A_64 = tpu.memref_slice %arg5[%arg0, %add3A_51, %dma_wait3A_63] : memref<2x10240x128xf32, #tpu.memory_space<hbm>> -> memref<1x128x128xf32, #tpu.memory_space<hbm>>
      %dma_wait3A_65 = tpu.memref_squeeze %dma_wait3A_64 : memref<1x128x128xf32, #tpu.memory_space<hbm>> -> memref<128x128xf32, #tpu.memory_space<hbm>>
      tpu.wait_dma2 semaphore(%run_scoped3A : memref<!tpu.dma_semaphore, #tpu.memory_space<semaphore_mem>>) src(%arg8 : memref<128x128xf32, #tpu.memory_space<vmem>>) dst(%dma_wait3A_65 : memref<128x128xf32, #tpu.memory_space<hbm>>)
      tpu.yield
    }) : () -> ()
    %mul3A_52 = arith.constant 640 : i32
    %mul3A_53 = arith.muli %arg1, %mul3A_52 : i32
    %add3A_54 = arith.constant 512 : i32
    %add3A_55 = arith.addi %mul3A_53, %add3A_54 : i32
    "tpu.region"() ({
      %run_scoped3A = tpu.sem_alloc : memref<!tpu.dma_semaphore, #tpu.memory_space<semaphore_mem>>
      %dma_start3A = arith.constant 0 : i32
      %dma_start3A_56 = tpu.memref_slice %arg9[%add3A_55, %dma_start3A] : memref<10240x128xf32, #tpu.memory_space<vmem_shared>> -> memref<128x128xf32, #tpu.memory_space<vmem_shared>>
      %dma_start3A_57 = arith.constant 0 : i32
      %dma_start3A_58 = tpu.memref_slice %arg9[%add3A_55, %dma_start3A_57] : memref<10240x128xf32, #tpu.memory_space<vmem_shared>> -> memref<128x128xf32, #tpu.memory_space<vmem_shared>>
      tpu.enqueue_dma source(%dma_start3A_58 : memref<128x128xf32, #tpu.memory_space<vmem_shared>>) target(%arg8 : memref<128x128xf32, #tpu.memory_space<vmem>>) target_semaphore(%run_scoped3A : memref<!tpu.dma_semaphore, #tpu.memory_space<semaphore_mem>>)
      %dma_wait3A = arith.constant 0 : i32
      %dma_wait3A_59 = tpu.memref_slice %arg9[%add3A_55, %dma_wait3A] : memref<10240x128xf32, #tpu.memory_space<vmem_shared>> -> memref<128x128xf32, #tpu.memory_space<vmem_shared>>
      %dma_wait3A_60 = arith.constant 0 : i32
      %dma_wait3A_61 = tpu.memref_slice %arg9[%add3A_55, %dma_wait3A_60] : memref<10240x128xf32, #tpu.memory_space<vmem_shared>> -> memref<128x128xf32, #tpu.memory_space<vmem_shared>>
      tpu.wait_dma2 semaphore(%run_scoped3A : memref<!tpu.dma_semaphore, #tpu.memory_space<semaphore_mem>>) src(%dma_wait3A_61 : memref<128x128xf32, #tpu.memory_space<vmem_shared>>) dst(%arg8 : memref<128x128xf32, #tpu.memory_space<vmem>>)
      tpu.yield
    }) : () -> ()
    "tpu.region"() ({
      %run_scoped3A = tpu.sem_alloc : memref<!tpu.dma_semaphore, #tpu.memory_space<semaphore_mem>>
      %dma_start3A = arith.constant 0 : i32
      %dma_start3A_56 = tpu.memref_slice %arg5[%arg0, %add3A_55, %dma_start3A] : memref<2x10240x128xf32, #tpu.memory_space<hbm>> -> memref<1x128x128xf32, #tpu.memory_space<hbm>>
      %dma_start3A_57 = tpu.memref_squeeze %dma_start3A_56 : memref<1x128x128xf32, #tpu.memory_space<hbm>> -> memref<128x128xf32, #tpu.memory_space<hbm>>
      %dma_start3A_58 = arith.constant 0 : i32
      %dma_start3A_59 = tpu.memref_slice %arg5[%arg0, %add3A_55, %dma_start3A_58] : memref<2x10240x128xf32, #tpu.memory_space<hbm>> -> memref<1x128x128xf32, #tpu.memory_space<hbm>>
      %dma_start3A_60 = tpu.memref_squeeze %dma_start3A_59 : memref<1x128x128xf32, #tpu.memory_space<hbm>> -> memref<128x128xf32, #tpu.memory_space<hbm>>
      tpu.enqueue_dma source(%arg8 : memref<128x128xf32, #tpu.memory_space<vmem>>) target(%dma_start3A_60 : memref<128x128xf32, #tpu.memory_space<hbm>>) target_semaphore(%run_scoped3A : memref<!tpu.dma_semaphore, #tpu.memory_space<semaphore_mem>>)
      %dma_wait3A = arith.constant 0 : i32
      %dma_wait3A_61 = tpu.memref_slice %arg5[%arg0, %add3A_55, %dma_wait3A] : memref<2x10240x128xf32, #tpu.memory_space<hbm>> -> memref<1x128x128xf32, #tpu.memory_space<hbm>>
      %dma_wait3A_62 = tpu.memref_squeeze %dma_wait3A_61 : memref<1x128x128xf32, #tpu.memory_space<hbm>> -> memref<128x128xf32, #tpu.memory_space<hbm>>
      %dma_wait3A_63 = arith.constant 0 : i32
      %dma_wait3A_64 = tpu.memref_slice %arg5[%arg0, %add3A_55, %dma_wait3A_63] : memref<2x10240x128xf32, #tpu.memory_space<hbm>> -> memref<1x128x128xf32, #tpu.memory_space<hbm>>
      %dma_wait3A_65 = tpu.memref_squeeze %dma_wait3A_64 : memref<1x128x128xf32, #tpu.memory_space<hbm>> -> memref<128x128xf32, #tpu.memory_space<hbm>>
      tpu.wait_dma2 semaphore(%run_scoped3A : memref<!tpu.dma_semaphore, #tpu.memory_space<semaphore_mem>>) src(%arg8 : memref<128x128xf32, #tpu.memory_space<vmem>>) dst(%dma_wait3A_65 : memref<128x128xf32, #tpu.memory_space<hbm>>)
      tpu.yield
    }) : () -> ()
    return
  }
}

#map = affine_map<(d0, d1) -> (0, 0)>
module attributes {stable_mosaic.version = 14 : i64} {
  func.func @_edge_emb_sc(%arg0: i32, %arg1: i32, %arg2: memref<10240x128xf32, #tpu.memory_space<hbm>>, %arg3: memref<2528x128xi32, #tpu.memory_space<hbm>>, %arg4: memref<2528x128xi32, #tpu.memory_space<hbm>>, %arg5: memref<323584x128xf32, #tpu.memory_space<hbm>>, %arg6: memref<128xi32, #tpu.memory_space<vmem>>, %arg7: memref<128xi32, #tpu.memory_space<vmem>>, %arg8: memref<128x128xf32, #tpu.memory_space<vmem>>, %arg9: memref<128x128xf32, #tpu.memory_space<vmem>>, %arg10: memref<!tpu.dma_semaphore, #tpu.memory_space<semaphore_mem>>, %arg11: memref<!tpu.dma_semaphore, #tpu.memory_space<semaphore_mem>>) attributes {dimension_semantics = [#tpu.dimension_semantics<core_parallel>, #tpu.dimension_semantics<subcore_parallel>], iteration_bounds = array<i64: 2, 16>, scalar_prefetch = 0 : i64, scratch_operands = 6 : i64, tpu.core_type = #tpu.core_type<sc_vector_subcore>, window_params = [{transform_indices = #map}, {transform_indices = #map}, {transform_indices = #map}, {transform_indices = #map}]} {
    %mul3A = arith.constant 2 : i32
    %mul3A_0 = arith.muli %arg1, %mul3A : i32
    %add3A = arith.addi %mul3A_0, %arg0 : i32
    %scan3A = arith.constant 0 : i32
    %scan3A_1 = arith.constant 0 : i32
    %scan3A_2 = arith.constant 79 : i32
    %scan3A_3 = arith.addi %scan3A_1, %scan3A_2 : i32
    %scan3A_4 = arith.constant 1 : i32
    %scan3A_5 = scf.for %scan3A_7 = %scan3A_1 to %scan3A_3 step %scan3A_4 iter_args(%scan3A_8 = %scan3A) -> (i32)  : i32 {
      %mul3A_9 = arith.constant 79 : i32
      %mul3A_10 = arith.muli %add3A, %mul3A_9 : i32
      %add3A_11 = arith.addi %mul3A_10, %scan3A_7 : i32
      "tpu.region"() ({
        %run_scoped3A = tpu.sem_alloc : memref<!tpu.dma_semaphore, #tpu.memory_space<semaphore_mem>>
        %dma_start3A_32 = arith.constant 0 : i32
        %dma_start3A_33 = tpu.memref_slice %arg3[%add3A_11, %dma_start3A_32] : memref<2528x128xi32, #tpu.memory_space<hbm>> -> memref<1x128xi32, #tpu.memory_space<hbm>>
        %dma_start3A_34 = tpu.memref_squeeze %dma_start3A_33 : memref<1x128xi32, #tpu.memory_space<hbm>> -> memref<128xi32, #tpu.memory_space<hbm>>
        %dma_start3A_35 = arith.constant 0 : i32
        %dma_start3A_36 = tpu.memref_slice %arg3[%add3A_11, %dma_start3A_35] : memref<2528x128xi32, #tpu.memory_space<hbm>> -> memref<1x128xi32, #tpu.memory_space<hbm>>
        %dma_start3A_37 = tpu.memref_squeeze %dma_start3A_36 : memref<1x128xi32, #tpu.memory_space<hbm>> -> memref<128xi32, #tpu.memory_space<hbm>>
        tpu.enqueue_dma source(%dma_start3A_37 : memref<128xi32, #tpu.memory_space<hbm>>) target(%arg6 : memref<128xi32, #tpu.memory_space<vmem>>) target_semaphore(%run_scoped3A : memref<!tpu.dma_semaphore, #tpu.memory_space<semaphore_mem>>)
        %dma_wait3A_38 = arith.constant 0 : i32
        %dma_wait3A_39 = tpu.memref_slice %arg3[%add3A_11, %dma_wait3A_38] : memref<2528x128xi32, #tpu.memory_space<hbm>> -> memref<1x128xi32, #tpu.memory_space<hbm>>
        %dma_wait3A_40 = tpu.memref_squeeze %dma_wait3A_39 : memref<1x128xi32, #tpu.memory_space<hbm>> -> memref<128xi32, #tpu.memory_space<hbm>>
        %dma_wait3A_41 = arith.constant 0 : i32
        %dma_wait3A_42 = tpu.memref_slice %arg3[%add3A_11, %dma_wait3A_41] : memref<2528x128xi32, #tpu.memory_space<hbm>> -> memref<1x128xi32, #tpu.memory_space<hbm>>
        %dma_wait3A_43 = tpu.memref_squeeze %dma_wait3A_42 : memref<1x128xi32, #tpu.memory_space<hbm>> -> memref<128xi32, #tpu.memory_space<hbm>>
        tpu.wait_dma2 semaphore(%run_scoped3A : memref<!tpu.dma_semaphore, #tpu.memory_space<semaphore_mem>>) src(%dma_wait3A_43 : memref<128xi32, #tpu.memory_space<hbm>>) dst(%arg6 : memref<128xi32, #tpu.memory_space<vmem>>)
        tpu.yield
      }) : () -> ()
      "tpu.region"() ({
        %run_scoped3A = tpu.sem_alloc : memref<!tpu.dma_semaphore, #tpu.memory_space<semaphore_mem>>
        %dma_start3A_32 = arith.constant 0 : i32
        %dma_start3A_33 = tpu.memref_slice %arg4[%add3A_11, %dma_start3A_32] : memref<2528x128xi32, #tpu.memory_space<hbm>> -> memref<1x128xi32, #tpu.memory_space<hbm>>
        %dma_start3A_34 = tpu.memref_squeeze %dma_start3A_33 : memref<1x128xi32, #tpu.memory_space<hbm>> -> memref<128xi32, #tpu.memory_space<hbm>>
        %dma_start3A_35 = arith.constant 0 : i32
        %dma_start3A_36 = tpu.memref_slice %arg4[%add3A_11, %dma_start3A_35] : memref<2528x128xi32, #tpu.memory_space<hbm>> -> memref<1x128xi32, #tpu.memory_space<hbm>>
        %dma_start3A_37 = tpu.memref_squeeze %dma_start3A_36 : memref<1x128xi32, #tpu.memory_space<hbm>> -> memref<128xi32, #tpu.memory_space<hbm>>
        tpu.enqueue_dma source(%dma_start3A_37 : memref<128xi32, #tpu.memory_space<hbm>>) target(%arg7 : memref<128xi32, #tpu.memory_space<vmem>>) target_semaphore(%run_scoped3A : memref<!tpu.dma_semaphore, #tpu.memory_space<semaphore_mem>>)
        %dma_wait3A_38 = arith.constant 0 : i32
        %dma_wait3A_39 = tpu.memref_slice %arg4[%add3A_11, %dma_wait3A_38] : memref<2528x128xi32, #tpu.memory_space<hbm>> -> memref<1x128xi32, #tpu.memory_space<hbm>>
        %dma_wait3A_40 = tpu.memref_squeeze %dma_wait3A_39 : memref<1x128xi32, #tpu.memory_space<hbm>> -> memref<128xi32, #tpu.memory_space<hbm>>
        %dma_wait3A_41 = arith.constant 0 : i32
        %dma_wait3A_42 = tpu.memref_slice %arg4[%add3A_11, %dma_wait3A_41] : memref<2528x128xi32, #tpu.memory_space<hbm>> -> memref<1x128xi32, #tpu.memory_space<hbm>>
        %dma_wait3A_43 = tpu.memref_squeeze %dma_wait3A_42 : memref<1x128xi32, #tpu.memory_space<hbm>> -> memref<128xi32, #tpu.memory_space<hbm>>
        tpu.wait_dma2 semaphore(%run_scoped3A : memref<!tpu.dma_semaphore, #tpu.memory_space<semaphore_mem>>) src(%dma_wait3A_43 : memref<128xi32, #tpu.memory_space<hbm>>) dst(%arg7 : memref<128xi32, #tpu.memory_space<vmem>>)
        tpu.yield
      }) : () -> ()
      %dma_start3A = arith.constant 0 : i32
      %dma_start3A_12 = arith.constant 0 : i32
      %dma_start3A_13 = tpu.memref_slice %arg2[%dma_start3A, %dma_start3A_12] : memref<10240x128xf32, #tpu.memory_space<hbm>> -> memref<10240x128xf32, #tpu.memory_space<hbm>>
      tpu.enqueue_indirect_dma source(%dma_start3A_13 : memref<10240x128xf32, #tpu.memory_space<hbm>>) target(%arg8 : memref<128x128xf32, #tpu.memory_space<vmem>>) offsets(%arg6 : memref<128xi32, #tpu.memory_space<vmem>>) semaphore(%arg10 : memref<!tpu.dma_semaphore, #tpu.memory_space<semaphore_mem>>)
      %dma_start3A_14 = arith.constant 0 : i32
      %dma_start3A_15 = arith.constant 0 : i32
      %dma_start3A_16 = tpu.memref_slice %arg2[%dma_start3A_14, %dma_start3A_15] : memref<10240x128xf32, #tpu.memory_space<hbm>> -> memref<10240x128xf32, #tpu.memory_space<hbm>>
      tpu.enqueue_indirect_dma source(%dma_start3A_16 : memref<10240x128xf32, #tpu.memory_space<hbm>>) target(%arg9 : memref<128x128xf32, #tpu.memory_space<vmem>>) offsets(%arg7 : memref<128xi32, #tpu.memory_space<vmem>>) semaphore(%arg11 : memref<!tpu.dma_semaphore, #tpu.memory_space<semaphore_mem>>)
      %dma_wait3A = arith.constant 0 : i32
      %dma_wait3A_17 = arith.constant 0 : i32
      %dma_wait3A_18 = tpu.memref_slice %arg2[%dma_wait3A, %dma_wait3A_17] : memref<10240x128xf32, #tpu.memory_space<hbm>> -> memref<10240x128xf32, #tpu.memory_space<hbm>>
      tpu.wait_indirect_dma semaphore(%arg10 : memref<!tpu.dma_semaphore, #tpu.memory_space<semaphore_mem>>) src(%dma_wait3A_18 : memref<10240x128xf32, #tpu.memory_space<hbm>>) dst(%arg8 : memref<128x128xf32, #tpu.memory_space<vmem>>)
      %dma_wait3A_19 = arith.constant 0 : i32
      %dma_wait3A_20 = arith.constant 0 : i32
      %dma_wait3A_21 = tpu.memref_slice %arg2[%dma_wait3A_19, %dma_wait3A_20] : memref<10240x128xf32, #tpu.memory_space<hbm>> -> memref<10240x128xf32, #tpu.memory_space<hbm>>
      tpu.wait_indirect_dma semaphore(%arg11 : memref<!tpu.dma_semaphore, #tpu.memory_space<semaphore_mem>>) src(%dma_wait3A_21 : memref<10240x128xf32, #tpu.memory_space<hbm>>) dst(%arg9 : memref<128x128xf32, #tpu.memory_space<vmem>>)
      %scan3A_22 = arith.constant 0 : i32
      %scan3A_23 = arith.constant 0 : i32
      %scan3A_24 = arith.constant 128 : i32
      %scan3A_25 = arith.addi %scan3A_23, %scan3A_24 : i32
      %scan3A_26 = arith.constant 1 : i32
      %scan3A_27 = scf.for %scan3A_32 = %scan3A_23 to %scan3A_25 step %scan3A_26 iter_args(%scan3A_33 = %scan3A_22) -> (i32)  : i32 {
        %get3A = arith.index_cast %scan3A_32 : i32 to index
        %get3A_34 = arith.constant 0 : index
        %get3A_35 = tpu.vector_load %arg8[%get3A, %get3A_34] {strides = array<i32>} : memref<128x128xf32, #tpu.memory_space<vmem>>, vector<1x16xf32>,
        %get3A_36 = vector.shape_cast %get3A_35 : vector<1x16xf32> to vector<16xf32>
        %get3A_37 = arith.index_cast %scan3A_32 : i32 to index
        %get3A_38 = arith.constant 0 : index
        %get3A_39 = tpu.vector_load %arg9[%get3A_37, %get3A_38] {strides = array<i32>} : memref<128x128xf32, #tpu.memory_space<vmem>>, vector<1x16xf32>,
        %get3A_40 = vector.shape_cast %get3A_39 : vector<1x16xf32> to vector<16xf32>
        %add3A_41 = arith.addf %get3A_36, %get3A_40 : vector<16xf32>
        %swap3A = arith.index_cast %scan3A_32 : i32 to index
        %swap3A_42 = arith.constant 0 : index
        %swap3A_43 = tpu.vector_load %arg8[%swap3A, %swap3A_42] {strides = array<i32>} : memref<128x128xf32, #tpu.memory_space<vmem>>, vector<1x16xf32>,
        %swap3A_44 = vector.shape_cast %swap3A_43 : vector<1x16xf32> to vector<16xf32>
        %swap3A_45 = vector.shape_cast %add3A_41 : vector<16xf32> to vector<1x16xf32>
        tpu.vector_store %arg8[%swap3A, %swap3A_42], %swap3A_45 {strides = array<i32>} : memref<128x128xf32, #tpu.memory_space<vmem>>, vector<1x16xf32>,
        %get3A_46 = arith.index_cast %scan3A_32 : i32 to index
        %get3A_47 = arith.constant 16 : index
        %get3A_48 = tpu.vector_load %arg8[%get3A_46, %get3A_47] {strides = array<i32>} : memref<128x128xf32, #tpu.memory_space<vmem>>, vector<1x16xf32>,
        %get3A_49 = vector.shape_cast %get3A_48 : vector<1x16xf32> to vector<16xf32>
        %get3A_50 = arith.index_cast %scan3A_32 : i32 to index
        %get3A_51 = arith.constant 16 : index
        %get3A_52 = tpu.vector_load %arg9[%get3A_50, %get3A_51] {strides = array<i32>} : memref<128x128xf32, #tpu.memory_space<vmem>>, vector<1x16xf32>,
        %get3A_53 = vector.shape_cast %get3A_52 : vector<1x16xf32> to vector<16xf32>
        %add3A_54 = arith.addf %get3A_49, %get3A_53 : vector<16xf32>
        %swap3A_55 = arith.index_cast %scan3A_32 : i32 to index
        %swap3A_56 = arith.constant 16 : index
        %swap3A_57 = tpu.vector_load %arg8[%swap3A_55, %swap3A_56] {strides = array<i32>} : memref<128x128xf32, #tpu.memory_space<vmem>>, vector<1x16xf32>,
        %swap3A_58 = vector.shape_cast %swap3A_57 : vector<1x16xf32> to vector<16xf32>
        %swap3A_59 = vector.shape_cast %add3A_54 : vector<16xf32> to vector<1x16xf32>
        tpu.vector_store %arg8[%swap3A_55, %swap3A_56], %swap3A_59 {strides = array<i32>} : memref<128x128xf32, #tpu.memory_space<vmem>>, vector<1x16xf32>,
        %get3A_60 = arith.index_cast %scan3A_32 : i32 to index
        %get3A_61 = arith.constant 32 : index
        %get3A_62 = tpu.vector_load %arg8[%get3A_60, %get3A_61] {strides = array<i32>} : memref<128x128xf32, #tpu.memory_space<vmem>>, vector<1x16xf32>,
        %get3A_63 = vector.shape_cast %get3A_62 : vector<1x16xf32> to vector<16xf32>
        %get3A_64 = arith.index_cast %scan3A_32 : i32 to index
        %get3A_65 = arith.constant 32 : index
        %get3A_66 = tpu.vector_load %arg9[%get3A_64, %get3A_65] {strides = array<i32>} : memref<128x128xf32, #tpu.memory_space<vmem>>, vector<1x16xf32>,
        %get3A_67 = vector.shape_cast %get3A_66 : vector<1x16xf32> to vector<16xf32>
        %add3A_68 = arith.addf %get3A_63, %get3A_67 : vector<16xf32>
        %swap3A_69 = arith.index_cast %scan3A_32 : i32 to index
        %swap3A_70 = arith.constant 32 : index
        %swap3A_71 = tpu.vector_load %arg8[%swap3A_69, %swap3A_70] {strides = array<i32>} : memref<128x128xf32, #tpu.memory_space<vmem>>, vector<1x16xf32>,
        %swap3A_72 = vector.shape_cast %swap3A_71 : vector<1x16xf32> to vector<16xf32>
        %swap3A_73 = vector.shape_cast %add3A_68 : vector<16xf32> to vector<1x16xf32>
        tpu.vector_store %arg8[%swap3A_69, %swap3A_70], %swap3A_73 {strides = array<i32>} : memref<128x128xf32, #tpu.memory_space<vmem>>, vector<1x16xf32>,
        %get3A_74 = arith.index_cast %scan3A_32 : i32 to index
        %get3A_75 = arith.constant 48 : index
        %get3A_76 = tpu.vector_load %arg8[%get3A_74, %get3A_75] {strides = array<i32>} : memref<128x128xf32, #tpu.memory_space<vmem>>, vector<1x16xf32>,
        %get3A_77 = vector.shape_cast %get3A_76 : vector<1x16xf32> to vector<16xf32>
        %get3A_78 = arith.index_cast %scan3A_32 : i32 to index
        %get3A_79 = arith.constant 48 : index
        %get3A_80 = tpu.vector_load %arg9[%get3A_78, %get3A_79] {strides = array<i32>} : memref<128x128xf32, #tpu.memory_space<vmem>>, vector<1x16xf32>,
        %get3A_81 = vector.shape_cast %get3A_80 : vector<1x16xf32> to vector<16xf32>
        %add3A_82 = arith.addf %get3A_77, %get3A_81 : vector<16xf32>
        %swap3A_83 = arith.index_cast %scan3A_32 : i32 to index
        %swap3A_84 = arith.constant 48 : index
        %swap3A_85 = tpu.vector_load %arg8[%swap3A_83, %swap3A_84] {strides = array<i32>} : memref<128x128xf32, #tpu.memory_space<vmem>>, vector<1x16xf32>,
        %swap3A_86 = vector.shape_cast %swap3A_85 : vector<1x16xf32> to vector<16xf32>
        %swap3A_87 = vector.shape_cast %add3A_82 : vector<16xf32> to vector<1x16xf32>
        tpu.vector_store %arg8[%swap3A_83, %swap3A_84], %swap3A_87 {strides = array<i32>} : memref<128x128xf32, #tpu.memory_space<vmem>>, vector<1x16xf32>,
        %get3A_88 = arith.index_cast %scan3A_32 : i32 to index
        %get3A_89 = arith.constant 64 : index
        %get3A_90 = tpu.vector_load %arg8[%get3A_88, %get3A_89] {strides = array<i32>} : memref<128x128xf32, #tpu.memory_space<vmem>>, vector<1x16xf32>,
        %get3A_91 = vector.shape_cast %get3A_90 : vector<1x16xf32> to vector<16xf32>
        %get3A_92 = arith.index_cast %scan3A_32 : i32 to index
        %get3A_93 = arith.constant 64 : index
        %get3A_94 = tpu.vector_load %arg9[%get3A_92, %get3A_93] {strides = array<i32>} : memref<128x128xf32, #tpu.memory_space<vmem>>, vector<1x16xf32>,
        %get3A_95 = vector.shape_cast %get3A_94 : vector<1x16xf32> to vector<16xf32>
        %add3A_96 = arith.addf %get3A_91, %get3A_95 : vector<16xf32>
        %swap3A_97 = arith.index_cast %scan3A_32 : i32 to index
        %swap3A_98 = arith.constant 64 : index
        %swap3A_99 = tpu.vector_load %arg8[%swap3A_97, %swap3A_98] {strides = array<i32>} : memref<128x128xf32, #tpu.memory_space<vmem>>, vector<1x16xf32>,
        %swap3A_100 = vector.shape_cast %swap3A_99 : vector<1x16xf32> to vector<16xf32>
        %swap3A_101 = vector.shape_cast %add3A_96 : vector<16xf32> to vector<1x16xf32>
        tpu.vector_store %arg8[%swap3A_97, %swap3A_98], %swap3A_101 {strides = array<i32>} : memref<128x128xf32, #tpu.memory_space<vmem>>, vector<1x16xf32>,
        %get3A_102 = arith.index_cast %scan3A_32 : i32 to index
        %get3A_103 = arith.constant 80 : index
        %get3A_104 = tpu.vector_load %arg8[%get3A_102, %get3A_103] {strides = array<i32>} : memref<128x128xf32, #tpu.memory_space<vmem>>, vector<1x16xf32>,
        %get3A_105 = vector.shape_cast %get3A_104 : vector<1x16xf32> to vector<16xf32>
        %get3A_106 = arith.index_cast %scan3A_32 : i32 to index
        %get3A_107 = arith.constant 80 : index
        %get3A_108 = tpu.vector_load %arg9[%get3A_106, %get3A_107] {strides = array<i32>} : memref<128x128xf32, #tpu.memory_space<vmem>>, vector<1x16xf32>,
        %get3A_109 = vector.shape_cast %get3A_108 : vector<1x16xf32> to vector<16xf32>
        %add3A_110 = arith.addf %get3A_105, %get3A_109 : vector<16xf32>
        %swap3A_111 = arith.index_cast %scan3A_32 : i32 to index
        %swap3A_112 = arith.constant 80 : index
        %swap3A_113 = tpu.vector_load %arg8[%swap3A_111, %swap3A_112] {strides = array<i32>} : memref<128x128xf32, #tpu.memory_space<vmem>>, vector<1x16xf32>,
        %swap3A_114 = vector.shape_cast %swap3A_113 : vector<1x16xf32> to vector<16xf32>
        %swap3A_115 = vector.shape_cast %add3A_110 : vector<16xf32> to vector<1x16xf32>
        tpu.vector_store %arg8[%swap3A_111, %swap3A_112], %swap3A_115 {strides = array<i32>} : memref<128x128xf32, #tpu.memory_space<vmem>>, vector<1x16xf32>,
        %get3A_116 = arith.index_cast %scan3A_32 : i32 to index
        %get3A_117 = arith.constant 96 : index
        %get3A_118 = tpu.vector_load %arg8[%get3A_116, %get3A_117] {strides = array<i32>} : memref<128x128xf32, #tpu.memory_space<vmem>>, vector<1x16xf32>,
        %get3A_119 = vector.shape_cast %get3A_118 : vector<1x16xf32> to vector<16xf32>
        %get3A_120 = arith.index_cast %scan3A_32 : i32 to index
        %get3A_121 = arith.constant 96 : index
        %get3A_122 = tpu.vector_load %arg9[%get3A_120, %get3A_121] {strides = array<i32>} : memref<128x128xf32, #tpu.memory_space<vmem>>, vector<1x16xf32>,
        %get3A_123 = vector.shape_cast %get3A_122 : vector<1x16xf32> to vector<16xf32>
        %add3A_124 = arith.addf %get3A_119, %get3A_123 : vector<16xf32>
        %swap3A_125 = arith.index_cast %scan3A_32 : i32 to index
        %swap3A_126 = arith.constant 96 : index
        %swap3A_127 = tpu.vector_load %arg8[%swap3A_125, %swap3A_126] {strides = array<i32>} : memref<128x128xf32, #tpu.memory_space<vmem>>, vector<1x16xf32>,
        %swap3A_128 = vector.shape_cast %swap3A_127 : vector<1x16xf32> to vector<16xf32>
        %swap3A_129 = vector.shape_cast %add3A_124 : vector<16xf32> to vector<1x16xf32>
        tpu.vector_store %arg8[%swap3A_125, %swap3A_126], %swap3A_129 {strides = array<i32>} : memref<128x128xf32, #tpu.memory_space<vmem>>, vector<1x16xf32>,
        %get3A_130 = arith.index_cast %scan3A_32 : i32 to index
        %get3A_131 = arith.constant 112 : index
        %get3A_132 = tpu.vector_load %arg8[%get3A_130, %get3A_131] {strides = array<i32>} : memref<128x128xf32, #tpu.memory_space<vmem>>, vector<1x16xf32>,
        %get3A_133 = vector.shape_cast %get3A_132 : vector<1x16xf32> to vector<16xf32>
        %get3A_134 = arith.index_cast %scan3A_32 : i32 to index
        %get3A_135 = arith.constant 112 : index
        %get3A_136 = tpu.vector_load %arg9[%get3A_134, %get3A_135] {strides = array<i32>} : memref<128x128xf32, #tpu.memory_space<vmem>>, vector<1x16xf32>,
        %get3A_137 = vector.shape_cast %get3A_136 : vector<1x16xf32> to vector<16xf32>
        %add3A_138 = arith.addf %get3A_133, %get3A_137 : vector<16xf32>
        %swap3A_139 = arith.index_cast %scan3A_32 : i32 to index
        %swap3A_140 = arith.constant 112 : index
        %swap3A_141 = tpu.vector_load %arg8[%swap3A_139, %swap3A_140] {strides = array<i32>} : memref<128x128xf32, #tpu.memory_space<vmem>>, vector<1x16xf32>,
        %swap3A_142 = vector.shape_cast %swap3A_141 : vector<1x16xf32> to vector<16xf32>
        %swap3A_143 = vector.shape_cast %add3A_138 : vector<16xf32> to vector<1x16xf32>
        tpu.vector_store %arg8[%swap3A_139, %swap3A_140], %swap3A_143 {strides = array<i32>} : memref<128x128xf32, #tpu.memory_space<vmem>>, vector<1x16xf32>,
        %scan3A_144 = arith.constant 0 : i32
        scf.yield %scan3A_144 : i32
      }
      %scan3A_28 = arith.constant 128 : i32
      %mul3A_29 = arith.constant 128 : i32
      %mul3A_30 = arith.muli %add3A_11, %mul3A_29 : i32
      "tpu.region"() ({
        %run_scoped3A = tpu.sem_alloc : memref<!tpu.dma_semaphore, #tpu.memory_space<semaphore_mem>>
        %dma_start3A_32 = arith.constant 0 : i32
        %dma_start3A_33 = tpu.memref_slice %arg5[%mul3A_30, %dma_start3A_32] : memref<323584x128xf32, #tpu.memory_space<hbm>> -> memref<128x128xf32, #tpu.memory_space<hbm>>
        %dma_start3A_34 = arith.constant 0 : i32
        %dma_start3A_35 = tpu.memref_slice %arg5[%mul3A_30, %dma_start3A_34] : memref<323584x128xf32, #tpu.memory_space<hbm>> -> memref<128x128xf32, #tpu.memory_space<hbm>>
        tpu.enqueue_dma source(%arg8 : memref<128x128xf32, #tpu.memory_space<vmem>>) target(%dma_start3A_35 : memref<128x128xf32, #tpu.memory_space<hbm>>) target_semaphore(%run_scoped3A : memref<!tpu.dma_semaphore, #tpu.memory_space<semaphore_mem>>)
        %dma_wait3A_36 = arith.constant 0 : i32
        %dma_wait3A_37 = tpu.memref_slice %arg5[%mul3A_30, %dma_wait3A_36] : memref<323584x128xf32, #tpu.memory_space<hbm>> -> memref<128x128xf32, #tpu.memory_space<hbm>>
        %dma_wait3A_38 = arith.constant 0 : i32
        %dma_wait3A_39 = tpu.memref_slice %arg5[%mul3A_30, %dma_wait3A_38] : memref<323584x128xf32, #tpu.memory_space<hbm>> -> memref<128x128xf32, #tpu.memory_space<hbm>>
        tpu.wait_dma2 semaphore(%run_scoped3A : memref<!tpu.dma_semaphore, #tpu.memory_space<semaphore_mem>>) src(%arg8 : memref<128x128xf32, #tpu.memory_space<vmem>>) dst(%dma_wait3A_39 : memref<128x128xf32, #tpu.memory_space<hbm>>)
        tpu.yield
      }) : () -> ()
      %scan3A_31 = arith.constant 0 : i32
      scf.yield %scan3A_31 : i32
    }
    %scan3A_6 = arith.constant 79 : i32
    return
  }
}

module attributes {stable_mosaic.version = 14 : i64} {
  func.func @_lin1_body(%arg0: i32, %arg1: memref<2048x128xf32, #tpu.memory_space<vmem>>, %arg2: memref<128x128xf32, #tpu.memory_space<vmem>>, %arg3: memref<2048x128xf32, #tpu.memory_space<vmem>>) attributes {dimension_semantics = [#tpu.dimension_semantics<arbitrary>], iteration_bounds = array<i64: 5>, scalar_prefetch = 0 : i64, scratch_operands = 0 : i64, tpu.core_type = #tpu.core_type<tc>, window_params = [{transform_indices = @transform_0, window_bounds = array<i64: 2048, 128>}, {pipeline_mode = #tpu.pipeline_mode<synchronous>, transform_indices = @transform_1, window_bounds = array<i64: 128, 128>}, {transform_indices = @transform_2, window_bounds = array<i64: 2048, 128>}]} {
    %get3A = arith.constant 0 : index
    %get3A_0 = arith.constant 0 : index
    %get3A_1 = vector.load %arg1[%get3A, %get3A_0] : memref<2048x128xf32, #tpu.memory_space<vmem>>, vector<2048x128xf32>
    %get3A_2 = arith.constant 0 : index
    %get3A_3 = arith.constant 0 : index
    %get3A_4 = vector.load %arg2[%get3A_2, %get3A_3] : memref<128x128xf32, #tpu.memory_space<vmem>>, vector<128x128xf32>
    %dot_general3A = arith.constant dense<0.000000e+00> : vector<2048x128xf32>
    %dot_general3A_5 = tpu.matmul %get3A_1, %get3A_4, %dot_general3A {dimension_numbers = #tpu.dot_dimension_numbers<[1], [1], [0], [0], [0, 0, 1, 0], [], []>, transpose_lhs_hint = false} : vector<2048x128xf32>, vector<128x128xf32>, vector<2048x128xf32> -> vector<2048x128xf32>
    %swap3A = arith.constant 0 : index
    %swap3A_6 = arith.constant 0 : index
    %swap3A_7 = vector.load %arg3[%swap3A, %swap3A_6] : memref<2048x128xf32, #tpu.memory_space<vmem>>, vector<2048x128xf32>
    tpu.vector_store %arg3[%swap3A, %swap3A_6], %dot_general3A_5 {strides = array<i32>} : memref<2048x128xf32, #tpu.memory_space<vmem>>, vector<2048x128xf32>,
    return
  }
  func.func @transform_0(%arg0: i32) -> (i32, i32) {
    %c0_i32 = arith.constant 0 : i32
    %c0_i32_0 = arith.constant 0 : i32
    return %arg0, %c0_i32 : i32, i32
  }
  func.func @transform_1(%arg0: i32) -> (i32, i32) {
    %c0_i32 = arith.constant 0 : i32
    %c0_i32_0 = arith.constant 0 : i32
    %c0_i32_1 = arith.constant 0 : i32
    return %c0_i32, %c0_i32_0 : i32, i32
  }
  func.func @transform_2(%arg0: i32) -> (i32, i32) {
    %c0_i32 = arith.constant 0 : i32
    %c0_i32_0 = arith.constant 0 : i32
    return %arg0, %c0_i32 : i32, i32
  }
}

module attributes {stable_mosaic.version = 14 : i64} {
  func.func @_conv_mid_body(%arg0: i32, %arg1: memref<2048x128xf32, #tpu.memory_space<vmem>>, %arg2: memref<2048x128xf32, #tpu.memory_space<vmem>>, %arg3: memref<2048x128xf32, #tpu.memory_space<vmem>>, %arg4: memref<1x128xf32, #tpu.memory_space<vmem>>, %arg5: memref<128x128xf32, #tpu.memory_space<vmem>>, %arg6: memref<2048x128xf32, #tpu.memory_space<vmem>>) attributes {dimension_semantics = [#tpu.dimension_semantics<arbitrary>], iteration_bounds = array<i64: 5>, scalar_prefetch = 0 : i64, scratch_operands = 0 : i64, tpu.core_type = #tpu.core_type<tc>, window_params = [{transform_indices = @transform_0, window_bounds = array<i64: 2048, 128>}, {transform_indices = @transform_1, window_bounds = array<i64: 2048, 128>}, {transform_indices = @transform_2, window_bounds = array<i64: 2048, 128>}, {pipeline_mode = #tpu.pipeline_mode<synchronous>, transform_indices = @transform_3, window_bounds = array<i64: 1, 128>}, {pipeline_mode = #tpu.pipeline_mode<synchronous>, transform_indices = @transform_4, window_bounds = array<i64: 128, 128>}, {transform_indices = @transform_5, window_bounds = array<i64: 2048, 128>}]} {
    %get3A = arith.constant 0 : index
    %get3A_0 = arith.constant 0 : index
    %get3A_1 = vector.load %arg1[%get3A, %get3A_0] : memref<2048x128xf32, #tpu.memory_space<vmem>>, vector<2048x128xf32>
    %mul3A = arith.constant 5.000000e-01 : f32
    %mul3A_2 = vector.broadcast %mul3A : f32 to vector<2048x128xf32>
    %mul3A_3 = arith.mulf %mul3A_2, %get3A_1 : vector<2048x128xf32>
    %get3A_4 = arith.constant 0 : index
    %get3A_5 = arith.constant 0 : index
    %get3A_6 = vector.load %arg2[%get3A_4, %get3A_5] : memref<2048x128xf32, #tpu.memory_space<vmem>>, vector<2048x128xf32>
    %get3A_7 = arith.constant 0 : index
    %get3A_8 = arith.constant 0 : index
    %get3A_9 = vector.load %arg3[%get3A_7, %get3A_8] : memref<2048x128xf32, #tpu.memory_space<vmem>>, vector<2048x128xf32>
    %add3A = arith.addf %get3A_6, %get3A_9 : vector<2048x128xf32>
    %sub3A = arith.subf %mul3A_3, %add3A : vector<2048x128xf32>
    %get3A_10 = arith.constant 0 : index
    %get3A_11 = arith.constant 0 : index
    %get3A_12 = vector.load %arg4[%get3A_10, %get3A_11] : memref<1x128xf32, #tpu.memory_space<vmem>>, vector<1x128xf32>
    %add3A_13 = vector.broadcast %get3A_12 : vector<1x128xf32> to vector<2048x128xf32>
    %add3A_14 = arith.addf %sub3A, %add3A_13 : vector<2048x128xf32>
    %gt3A = arith.constant 0.000000e+00 : f32
    %gt3A_15 = vector.broadcast %gt3A : f32 to vector<2048x128xf32>
    %gt3A_16 = arith.cmpf ogt, %add3A_14, %gt3A_15 : vector<2048x128xf32>
    %min3A = arith.constant 0.000000e+00 : f32
    %min3A_17 = vector.broadcast %min3A : f32 to vector<2048x128xf32>
    %min3A_18 = arith.minimumf %add3A_14, %min3A_17 : vector<2048x128xf32>
    %exp3A = math.exp %min3A_18 : vector<2048x128xf32>
    %sub3A_19 = arith.constant 1.000000e+00 : f32
    %sub3A_20 = vector.broadcast %sub3A_19 : f32 to vector<2048x128xf32>
    %sub3A_21 = arith.subf %exp3A, %sub3A_20 : vector<2048x128xf32>
    %select_n3A = arith.select %gt3A_16, %add3A_14, %sub3A_21 : vector<2048x128xi1>, vector<2048x128xf32>
    %get3A_22 = arith.constant 0 : index
    %get3A_23 = arith.constant 0 : index
    %get3A_24 = vector.load %arg5[%get3A_22, %get3A_23] : memref<128x128xf32, #tpu.memory_space<vmem>>, vector<128x128xf32>
    %dot_general3A = arith.constant dense<0.000000e+00> : vector<2048x128xf32>
    %dot_general3A_25 = tpu.matmul %select_n3A, %get3A_24, %dot_general3A {dimension_numbers = #tpu.dot_dimension_numbers<[1], [1], [0], [0], [0, 0, 1, 0], [], []>, transpose_lhs_hint = false} : vector<2048x128xf32>, vector<128x128xf32>, vector<2048x128xf32> -> vector<2048x128xf32>
    %swap3A = arith.constant 0 : index
    %swap3A_26 = arith.constant 0 : index
    %swap3A_27 = vector.load %arg6[%swap3A, %swap3A_26] : memref<2048x128xf32, #tpu.memory_space<vmem>>, vector<2048x128xf32>
    tpu.vector_store %arg6[%swap3A, %swap3A_26], %dot_general3A_25 {strides = array<i32>} : memref<2048x128xf32, #tpu.memory_space<vmem>>, vector<2048x128xf32>,
    return
  }
  func.func @transform_0(%arg0: i32) -> (i32, i32) {
    %c0_i32 = arith.constant 0 : i32
    %c0_i32_0 = arith.constant 0 : i32
    return %arg0, %c0_i32 : i32, i32
  }
  func.func @transform_1(%arg0: i32) -> (i32, i32) {
    %c0_i32 = arith.constant 0 : i32
    %c0_i32_0 = arith.constant 0 : i32
    return %arg0, %c0_i32 : i32, i32
  }
  func.func @transform_2(%arg0: i32) -> (i32, i32) {
    %c0_i32 = arith.constant 0 : i32
    %c0_i32_0 = arith.constant 0 : i32
    return %arg0, %c0_i32 : i32, i32
  }
  func.func @transform_3(%arg0: i32) -> (i32, i32) {
    %c0_i32 = arith.constant 0 : i32
    %c0_i32_0 = arith.constant 0 : i32
    %c0_i32_1 = arith.constant 0 : i32
    return %c0_i32, %c0_i32_0 : i32, i32
  }
  func.func @transform_4(%arg0: i32) -> (i32, i32) {
    %c0_i32 = arith.constant 0 : i32
    %c0_i32_0 = arith.constant 0 : i32
    %c0_i32_1 = arith.constant 0 : i32
    return %c0_i32, %c0_i32_0 : i32, i32
  }
  func.func @transform_5(%arg0: i32) -> (i32, i32) {
    %c0_i32 = arith.constant 0 : i32
    %c0_i32_0 = arith.constant 0 : i32
    return %arg0, %c0_i32 : i32, i32
  }
}

module attributes {stable_mosaic.version = 14 : i64} {
  func.func @_conv_out_body(%arg0: i32, %arg1: memref<2048x128xf32, #tpu.memory_space<vmem>>, %arg2: memref<2048x128xf32, #tpu.memory_space<vmem>>, %arg3: memref<2048x128xf32, #tpu.memory_space<vmem>>, %arg4: memref<1x128xf32, #tpu.memory_space<vmem>>, %arg5: memref<2048x128xf32, #tpu.memory_space<vmem>>) attributes {dimension_semantics = [#tpu.dimension_semantics<arbitrary>], iteration_bounds = array<i64: 5>, scalar_prefetch = 0 : i64, scratch_operands = 0 : i64, tpu.core_type = #tpu.core_type<tc>, window_params = [{transform_indices = @transform_0, window_bounds = array<i64: 2048, 128>}, {transform_indices = @transform_1, window_bounds = array<i64: 2048, 128>}, {transform_indices = @transform_2, window_bounds = array<i64: 2048, 128>}, {pipeline_mode = #tpu.pipeline_mode<synchronous>, transform_indices = @transform_3, window_bounds = array<i64: 1, 128>}, {transform_indices = @transform_4, window_bounds = array<i64: 2048, 128>}]} {
    %get3A = arith.constant 0 : index
    %get3A_0 = arith.constant 0 : index
    %get3A_1 = vector.load %arg1[%get3A, %get3A_0] : memref<2048x128xf32, #tpu.memory_space<vmem>>, vector<2048x128xf32>
    %mul3A = arith.constant 5.000000e-01 : f32
    %mul3A_2 = vector.broadcast %mul3A : f32 to vector<2048x128xf32>
    %mul3A_3 = arith.mulf %mul3A_2, %get3A_1 : vector<2048x128xf32>
    %get3A_4 = arith.constant 0 : index
    %get3A_5 = arith.constant 0 : index
    %get3A_6 = vector.load %arg2[%get3A_4, %get3A_5] : memref<2048x128xf32, #tpu.memory_space<vmem>>, vector<2048x128xf32>
    %get3A_7 = arith.constant 0 : index
    %get3A_8 = arith.constant 0 : index
    %get3A_9 = vector.load %arg3[%get3A_7, %get3A_8] : memref<2048x128xf32, #tpu.memory_space<vmem>>, vector<2048x128xf32>
    %add3A = arith.addf %get3A_6, %get3A_9 : vector<2048x128xf32>
    %sub3A = arith.subf %mul3A_3, %add3A : vector<2048x128xf32>
    %get3A_10 = arith.constant 0 : index
    %get3A_11 = arith.constant 0 : index
    %get3A_12 = vector.load %arg4[%get3A_10, %get3A_11] : memref<1x128xf32, #tpu.memory_space<vmem>>, vector<1x128xf32>
    %add3A_13 = vector.broadcast %get3A_12 : vector<1x128xf32> to vector<2048x128xf32>
    %add3A_14 = arith.addf %sub3A, %add3A_13 : vector<2048x128xf32>
    %swap3A = arith.constant 0 : index
    %swap3A_15 = arith.constant 0 : index
    %swap3A_16 = vector.load %arg5[%swap3A, %swap3A_15] : memref<2048x128xf32, #tpu.memory_space<vmem>>, vector<2048x128xf32>
    tpu.vector_store %arg5[%swap3A, %swap3A_15], %add3A_14 {strides = array<i32>} : memref<2048x128xf32, #tpu.memory_space<vmem>>, vector<2048x128xf32>,
    return
  }
  func.func @transform_0(%arg0: i32) -> (i32, i32) {
    %c0_i32 = arith.constant 0 : i32
    %c0_i32_0 = arith.constant 0 : i32
    return %arg0, %c0_i32 : i32, i32
  }
  func.func @transform_1(%arg0: i32) -> (i32, i32) {
    %c0_i32 = arith.constant 0 : i32
    %c0_i32_0 = arith.constant 0 : i32
    return %arg0, %c0_i32 : i32, i32
  }
  func.func @transform_2(%arg0: i32) -> (i32, i32) {
    %c0_i32 = arith.constant 0 : i32
    %c0_i32_0 = arith.constant 0 : i32
    return %arg0, %c0_i32 : i32, i32
  }
  func.func @transform_3(%arg0: i32) -> (i32, i32) {
    %c0_i32 = arith.constant 0 : i32
    %c0_i32_0 = arith.constant 0 : i32
    %c0_i32_1 = arith.constant 0 : i32
    return %c0_i32, %c0_i32_0 : i32, i32
  }
  func.func @transform_4(%arg0: i32) -> (i32, i32) {
    %c0_i32 = arith.constant 0 : i32
    %c0_i32_0 = arith.constant 0 : i32
    return %arg0, %c0_i32 : i32, i32
  }
}

module attributes {stable_mosaic.version = 14 : i64} {
  func.func @_mlp_body(%arg0: i32, %arg1: memref<2048x128xf32, #tpu.memory_space<vmem>>, %arg2: memref<256x128xf32, #tpu.memory_space<vmem>>, %arg3: memref<1x256xf32, #tpu.memory_space<vmem>>, %arg4: memref<1x256xf32, #tpu.memory_space<vmem>>, %arg5: memref<1x1xf32, #tpu.memory_space<vmem>>, %arg6: memref<2048x1xf32, #tpu.memory_space<vmem>>) attributes {dimension_semantics = [#tpu.dimension_semantics<arbitrary>], iteration_bounds = array<i64: 158>, scalar_prefetch = 0 : i64, scratch_operands = 0 : i64, tpu.core_type = #tpu.core_type<tc>, window_params = [{transform_indices = @transform_0, window_bounds = array<i64: 2048, 128>}, {pipeline_mode = #tpu.pipeline_mode<synchronous>, transform_indices = @transform_1, window_bounds = array<i64: 256, 128>}, {pipeline_mode = #tpu.pipeline_mode<synchronous>, transform_indices = @transform_2, window_bounds = array<i64: 1, 256>}, {pipeline_mode = #tpu.pipeline_mode<synchronous>, transform_indices = @transform_3, window_bounds = array<i64: 1, 256>}, {pipeline_mode = #tpu.pipeline_mode<synchronous>, transform_indices = @transform_4, window_bounds = array<i64: 1, 1>}, {transform_indices = @transform_5, window_bounds = array<i64: 2048, 1>}]} {
    %get3A = arith.constant 0 : index
    %get3A_0 = arith.constant 0 : index
    %get3A_1 = vector.load %arg1[%get3A, %get3A_0] : memref<2048x128xf32, #tpu.memory_space<vmem>>, vector<2048x128xf32>
    %get3A_2 = arith.constant 0 : index
    %get3A_3 = arith.constant 0 : index
    %get3A_4 = vector.load %arg2[%get3A_2, %get3A_3] : memref<256x128xf32, #tpu.memory_space<vmem>>, vector<256x128xf32>
    %dot_general3A = arith.constant dense<0.000000e+00> : vector<2048x256xf32>
    %dot_general3A_5 = tpu.matmul %get3A_1, %get3A_4, %dot_general3A {dimension_numbers = #tpu.dot_dimension_numbers<[1], [1], [0], [0], [0, 0, 1, 0], [], []>, transpose_lhs_hint = false} : vector<2048x128xf32>, vector<256x128xf32>, vector<2048x256xf32> -> vector<2048x256xf32>
    %get3A_6 = arith.constant 0 : index
    %get3A_7 = arith.constant 0 : index
    %get3A_8 = vector.load %arg3[%get3A_6, %get3A_7] : memref<1x256xf32, #tpu.memory_space<vmem>>, vector<1x256xf32>
    %add3A = vector.broadcast %get3A_8 : vector<1x256xf32> to vector<2048x256xf32>
    %add3A_9 = arith.addf %dot_general3A_5, %add3A : vector<2048x256xf32>
    %max3A = arith.constant 0.000000e+00 : f32
    %max3A_10 = vector.broadcast %max3A : f32 to vector<2048x256xf32>
    %max3A_11 = arith.maximumf %add3A_9, %max3A_10 : vector<2048x256xf32>
    %get3A_12 = arith.constant 0 : index
    %get3A_13 = arith.constant 0 : index
    %get3A_14 = vector.load %arg4[%get3A_12, %get3A_13] : memref<1x256xf32, #tpu.memory_space<vmem>>, vector<1x256xf32>
    %mul3A = vector.broadcast %get3A_14 : vector<1x256xf32> to vector<2048x256xf32>
    %mul3A_15 = arith.mulf %max3A_11, %mul3A : vector<2048x256xf32>
    %reduce_sum3A = arith.constant dense<0.000000e+00> : vector<2048xf32>
    %reduce_sum3A_16 = vector.multi_reduction <add>, %mul3A_15, %reduce_sum3A [1] : vector<2048x256xf32> to vector<2048xf32>
    %broadcast_in_dim3A = vector.shape_cast %reduce_sum3A_16 : vector<2048xf32> to vector<2048x1xf32>
    %get3A_17 = arith.constant 0 : index
    %get3A_18 = arith.constant 0 : index
    %get3A_19 = vector.load %arg5[%get3A_17, %get3A_18] : memref<1x1xf32, #tpu.memory_space<vmem>>, vector<1x1xf32>
    %add3A_20 = vector.broadcast %get3A_19 : vector<1x1xf32> to vector<2048x1xf32>
    %add3A_21 = arith.addf %broadcast_in_dim3A, %add3A_20 : vector<2048x1xf32>
    %logistic3A = arith.negf %add3A_21 : vector<2048x1xf32>
    %logistic3A_22 = math.exp %logistic3A : vector<2048x1xf32>
    %logistic3A_23 = arith.constant 1.000000e+00 : f32
    %logistic3A_24 = vector.broadcast %logistic3A_23 : f32 to vector<2048x1xf32>
    %logistic3A_25 = arith.addf %logistic3A_24, %logistic3A_22 : vector<2048x1xf32>
    %logistic3A_26 = arith.divf %logistic3A_24, %logistic3A_25 : vector<2048x1xf32>
    %swap3A = arith.constant 0 : index
    %swap3A_27 = arith.constant 0 : index
    %swap3A_28 = vector.load %arg6[%swap3A, %swap3A_27] : memref<2048x1xf32, #tpu.memory_space<vmem>>, vector<2048x1xf32>
    tpu.vector_store %arg6[%swap3A, %swap3A_27], %logistic3A_26 {strides = array<i32>} : memref<2048x1xf32, #tpu.memory_space<vmem>>, vector<2048x1xf32>,
    return
  }
  func.func @transform_0(%arg0: i32) -> (i32, i32) {
    %c0_i32 = arith.constant 0 : i32
    %c0_i32_0 = arith.constant 0 : i32
    return %arg0, %c0_i32 : i32, i32
  }
  func.func @transform_1(%arg0: i32) -> (i32, i32) {
    %c0_i32 = arith.constant 0 : i32
    %c0_i32_0 = arith.constant 0 : i32
    %c0_i32_1 = arith.constant 0 : i32
    return %c0_i32, %c0_i32_0 : i32, i32
  }
  func.func @transform_2(%arg0: i32) -> (i32, i32) {
    %c0_i32 = arith.constant 0 : i32
    %c0_i32_0 = arith.constant 0 : i32
    %c0_i32_1 = arith.constant 0 : i32
    return %c0_i32, %c0_i32_0 : i32, i32
  }
  func.func @transform_3(%arg0: i32) -> (i32, i32) {
    %c0_i32 = arith.constant 0 : i32
    %c0_i32_0 = arith.constant 0 : i32
    %c0_i32_1 = arith.constant 0 : i32
    return %c0_i32, %c0_i32_0 : i32, i32
  }
  func.func @transform_4(%arg0: i32) -> (i32, i32) {
    %c0_i32 = arith.constant 0 : i32
    %c0_i32_0 = arith.constant 0 : i32
    %c0_i32_1 = arith.constant 0 : i32
    return %c0_i32, %c0_i32_0 : i32, i32
  }
  func.func @transform_5(%arg0: i32) -> (i32, i32) {
    %c0_i32 = arith.constant 0 : i32
    %c0_i32_0 = arith.constant 0 : i32
    return %arg0, %c0_i32 : i32, i32
  }
}

</mosaic_0001>

<sc_bundles>
// kernel: kernel.12.cloned.1.call-start
scs
__scs_entry_jumppad:
0x0: {  	(pc) =	sbr.rel $0x88, $3  }
0x1: {  	(tag) =	ssettag $0x0;
	lr =	simm.s32 $0x1  }
0x2: {  	[smem:$0x3F97] =	sst lr;
	_ =	strace $0xD0000000  }
0x3: {  	_ = 	snop  }
0x4: {  	_ = 	snop  }
0x5: {  	_ = 	snop  }
0x6: {  	_ = 	snop  }
0x7: {  	_ = 	snop  }
__scs_overlays_trampoline_lowered:
0x8: {  	[smem:$0x3FA6] =	sst s0  }
0x9: {  	[smem:$0x3FA7] =	sst s1  }
0xa: {  	[smem:$0x3FA8] =	sst s2  }
0xb: {  	[smem:$0x3FA9] =	sst s3  }
0xc: {  	[smem:$0x3FAA] =	sst s4  }
0xd: {  	[smem:$0x3FAB] =	sst s5  }
0xe: {  	[smem:$0x3FAC] =	sst s6  }
0xf: {  	[smem:$0x3FAD] =	sst s7  }
0x10: {  	[smem:$0x3FAE] =	sst s8  }
0x11: {  	[smem:$0x3FAF] =	sst s9;
	s0 =	simm.s32 @!p0 $0x0  }
0x12: {  	s1 =	sld [smem:$0x3F95];
	s0 =	simm.s32 @p0 $0x1  }
0x13: {  	[smem:$0x3FB0] =	sst s0;
	s0 =	simm.s32 @!p1 $0x0  }
0x14: {  	s2 =	sld [smem:$0x3F94];
	s0 =	simm.s32 @p1 $0x1  }
0x15: {  	[smem:$0x3FB1] =	sst s0;
	s0 =	simm.s32 @!p2 $0x0  }
0x16: {  	s3 =	sld [smem:$0x3FDB];
	s0 =	simm.s32 @p2 $0x1  }
0x17: {  	s4 =	simm.s32 $0x1BF5;
	[smem:$0x3FB3] =	sst s0  }
0x18: {  	s0 =	sld [smem:$0x3F96];
	_ =	swait.ge [sflag:s4], $0x0  }
0x19: {  	s7 =	sld [smem:$0x3F97]  }
0x1a: {  	s8 =	sadd.s32 $0xFFFFE003, lr  }
0x1b: {  	s9 =	sadd.s32 $0xFFFFFEF7, lr;
	s5 =	simm.s32 $0xFFFFFFFF;
	p2 =	slt.u32 s8, $0xFFFFF086  }
0x1c: {  	p1 =	slt.u32 s9, $0xF7A;
	s5 =	simm.s32 @!p2 $0x0  }
0x1d: {  	s5 =	simm.s32 @p1 $0x1;
	p0 =	seq.s32 s7, s2  }
0x1e: {  	s7 =	smul.u32 @!p0 $0xF7A, s2;
	p2 =	seq.s32 @!p0 s5, $0x0  }
0x1f: {  	s9 =	smul.u32 $0xF7A, s1;
	s8 =	simm.s32 @!p0 $0x1BF5;
	p2 =	por !p2, p0  }
0x20: {  	[sflag:s8] =	ssyncset.s32 @!p0 $0xFFFFF086;
	s6 =	sadd.s32 @!p0 s3, s7;
	s7 =	simm.s32 @!p0 $0x108  }
0x21: {  	s3 =	sadd.s32 s3, s9;
	s6 =	sadd.s32 @!p0 $0x88, s6;
	s7 =	simm.s32 @p2 $0x1082  }
0x22: {  	[simem:s7], [sflag:s8] =	dma.local @!p0 [hbm:s6], $0xF7A  }
0x23: {  	s9 =	sor.u32 $0xD0000000, s2;
	s6 =	simm.s32 $0x108;
	_ =	swait.ge @!p0 [sflag:s8], $0x0  }
0x24: {  	s3 =	sadd.s32 $0x88, s3;
	s6 =	simm.s32 @!p1 $0x1082;
	[sflag:s4] =	ssyncset.s32 $0xFFFFF086  }
0x25: {  	[simem:s6], [sflag:s4] =	dma.local [hbm:s3], $0xF7A  }
0x26: {  	[smem:$0x3F97] =	sst s1;
	(tag) =	ssettag s2;
	_ =	strace s9  }
0x27: {  	s1 =	sld [smem:$0x3FA7]  }
0x28: {  	s2 =	sld [smem:$0x3FA8]  }
0x29: {  	s4 =	sld [smem:$0x3FAA]  }
0x2a: {  	p0 =	seq.s32 s5, $0x0;
	s5 =	sld [smem:$0x3FAB]  }
0x2b: {  	s6 =	sld [smem:$0x3FAC]  }
0x2c: {  	s7 =	sld [smem:$0x3FAD]  }
0x2d: {  	s3 =	simm.s32 $0x108;
	s8 =	sld [smem:$0x3FAE]  }
0x2e: {  	s3 =	simm.s32 @!p0 $0x1082;
	s9 =	sld [smem:$0x3FAF]  }
0x2f: {  	lr =	sadd.s32 s0, s3;
	s0 =	sld [smem:$0x3FA6]  }
0x30: {  	s3 =	sld [smem:$0x3FA9]  }
0x31: {  	[smem:$0x3FB2] =	sst s10  }
0x32: {  	s10 =	sld [smem:$0x3FB0];
	_ =	sdelay $0x3  }
0x33: {  	p0 =	seq.s32 s10, $0x1;
	s10 =	sld [smem:$0x3FB2];
	_ =	sdelay $0x3  }
0x34: {  	[smem:$0x3FB2] =	sst s10  }
0x35: {  	s10 =	sld [smem:$0x3FB1];
	_ =	sdelay $0x3  }
0x36: {  	p1 =	seq.s32 s10, $0x1;
	s10 =	sld [smem:$0x3FB2];
	_ =	sdelay $0x3  }
0x37: {  	[smem:$0x3FB2] =	sst s10  }
0x38: {  	s10 =	sld [smem:$0x3FB3]  }
0x39: {  	_ = 	snop;
	(pc) =	sbr.ind lr, $3  }
0x3a: {  	_ = 	snop  }
0x3b: {  	_ = 	snop  }
0x3c: {  	p2 =	seq.s32 s10, $0x1;
	s10 =	sld [smem:$0x3FB2]  }
0x3d: {  	_ =	shalt  }
0x3e: {  	_ =	shalt  }
0x3f: {  	_ =	shalt  }
0x40: {  	_ =	shalt  }
0x41: {  	_ =	shalt  }
0x42: {  	_ =	shalt  }
0x43: {  	_ =	shalt  }
0x44: {  	_ =	shalt  }
0x45: {  	_ =	shalt  }
0x46: {  	_ =	shalt  }
0x47: {  	_ =	shalt  }
0x48: {  	_ =	shalt  }
0x49: {  	_ =	shalt  }
0x4a: {  	_ =	shalt  }
0x4b: {  	_ =	shalt  }
0x4c: {  	_ =	shalt  }
0x4d: {  	_ =	shalt  }
0x4e: {  	_ =	shalt  }
0x4f: {  	_ =	shalt  }
0x50: {  	_ =	shalt  }
0x51: {  	_ =	shalt  }
0x52: {  	_ =	shalt  }
0x53: {  	_ =	shalt  }
0x54: {  	_ =	shalt  }
0x55: {  	_ =	shalt  }
0x56: {  	_ =	shalt  }
0x57: {  	_ =	shalt  }
0x58: {  	_ =	shalt  }
0x59: {  	_ =	shalt  }
0x5a: {  	_ =	shalt  }
0x5b: {  	_ =	shalt  }
0x5c: {  	_ =	shalt  }
0x5d: {  	_ =	shalt  }
0x5e: {  	_ =	shalt  }
0x5f: {  	_ =	shalt  }
0x60: {  	_ =	shalt  }
0x61: {  	_ =	shalt  }
0x62: {  	_ =	shalt  }
0x63: {  	_ =	shalt  }
0x64: {  	_ =	shalt  }
0x65: {  	_ =	shalt  }
0x66: {  	_ =	shalt  }
0x67: {  	_ =	shalt  }
0x68: {  	_ =	shalt  }
0x69: {  	_ =	shalt  }
0x6a: {  	_ =	shalt  }
0x6b: {  	_ =	shalt  }
0x6c: {  	_ =	shalt  }
0x6d: {  	_ =	shalt  }
0x6e: {  	_ =	shalt  }
0x6f: {  	_ =	shalt  }
0x70: {  	_ =	shalt  }
0x71: {  	_ =	shalt  }
0x72: {  	_ =	shalt  }
0x73: {  	_ =	shalt  }
0x74: {  	_ =	shalt  }
0x75: {  	_ =	shalt  }
0x76: {  	_ =	shalt  }
0x77: {  	_ =	shalt  }
0x78: {  	_ =	shalt  }
0x79: {  	_ =	shalt  }
0x7a: {  	_ =	shalt  }
0x7b: {  	_ =	shalt  }
0x7c: {  	_ =	shalt  }
0x7d: {  	_ =	shalt  }
0x7e: {  	_ =	shalt  }
0x7f: {  	_ =	shalt  }
0x80: {  	_ =	shalt  }
0x81: {  	_ =	shalt  }
0x82: {  	_ =	shalt  }
0x83: {  	_ =	shalt  }
0x84: {  	_ =	shalt  }
0x85: {  	_ =	shalt  }
0x86: {  	_ =	shalt  }
0x87: {  	_ =	shalt  }
.Lfunc_end0:
.L_simem_size_0:
called_computation.1_lowered:
.L_overlay_start_0:
0x88: {  	s2 =	sld [smem:$0x3FD9]  }
0x89: {  	s3 =	sld [smem:$0x3FFE];
	_ =	sdelay $0x1  }
0x8a: {  	s1 =	srdreg.scid  }
0x8b: {  	s0 =	sand.u32 $0x1, s1  }
0x8c: {  	s16 =	sshll.u32 s0, $0xA;
	s2 =	sadd.s32 s3, s2  }
0x8d: {  	s2 =	sadd.s32 s2, s16  }
0x8e: {  	[smem:$0x3FBE] =	sst s2  }
0x8f: {  	_ = 	snop  }
0x90: {  	(tm) =	ssettm $0x1  }
0x91: {  	s17 =	sld [smem:$0x3FFB];
	_ =	sdelay $0x3  }
0x92: {  	_ =	strace s17  }
0x93: {  	s2 =	sld [smem:$0x3FFC];
	_ =	sdelay $0x3  }
0x94: {  	_ =	strace s2  }
0x95: {  	s2 =	sld [smem:$0x3FFD];
	_ =	sdelay $0x3  }
0x96: {  	_ =	strace s2  }
0x97: {  	_ =	strace $0x8FFFFFFF  }
0x98: {  	s18 =	sld [smem:$0x3FDB];
	_ =	sdelay $0x1  }
0x99: {  	s19 =	simm.s32 $_scs_section_size  }
0x9a: {  	s4 =	simm.s32 $_size__tile_overlayer_lowered;
	s5 =	simm.s32 $_tile_overlayer_lowered  }
0x9b: {  	s22 =	simm.s32 $0x1BFF;
	s21 =	sshll.u32 s5, $0x1;
	s2 =	sadd.s32 s19, s18  }
0x9c: {  	s6 =	simm.s32 $0x0;
	s20 =	sshll.u32 s4, $0x1;
	s4 =	sadd.s32 s21, s2  }
0x9d: {  	[timem:s6], [sflag:s22] =	dma.local [hbm:s4], s20  }
0x9e: {  	_ =	swait.ge [sflag:s22], s20  }
0x9f: {  	s3 =	ssub.s32 $0x0, s20;
	[sflag:s22] =	ssyncset.done $0x0  }
0xa0: {  	[sflag:s22] =	ssyncadd.s32 s3;
	_ =	sdelay $0x1  }
0xa1: {  	s23 =	simm.s32 $0x1B8B  }
0xa2: {  	_ =	swait.ge [sflag:s23], $0x1  }
0xa3: {  	[sflag:s23] =	ssyncset.done $0x0  }
0xa4: {  	s25 =	simm.s32 $0x1B8E;
	s24 =	sld [smem:$0x3FFE];
	[sflag:s23] =	ssyncadd.s32 $0xFFFFFFFF  }
0xa5: {  	s26 =	simm.s32 $execute0_lowered;
	[smem:$0x3FD2] =	sst s25  }
0xa6: {  	s4 =	sshll.u32 s26, $0x1;
	_ =	strace $0x80000049;
	[dreg:$0x1] =	wrdreg $0xFFFFFFFF  }
0xa7: {  	s28 =	simm.s32 $_size_execute0_lowered;
	s2 =	sadd.s32 s2, s4;
	[dreg:$0x0] =	wrdreg $0x0  }
0xa8: {  	s4 =	sshll.u32 s28, $0x1;
	[dreg:$0x2] =	wrdreg s2  }
0xa9: {  	[dreg:$0x3] =	wrdreg s4  }
0xaa: {  	[dreg:$0x4] =	wrdreg $0xC0  }
0xab: {  	_ =	task [dreg:s6], $0x5FFFF  }
0xac: {  	[dreg:$0x1] =	wrdreg $0xFFFFFFFF  }
0xad: {  	[dreg:$0x0] =	wrdreg $0x60  }
0xae: {  	[dreg:$0x2] =	wrdreg s24  }
0xaf: {  	[dreg:$0x3] =	wrdreg $0x41000  }
0xb0: {  	[dreg:$0x4] =	wrdreg $0x9  }
0xb1: {  	_ =	task.clear_ibuf [dreg:s6], $0x5FFFF;
	_ =	strace $0x90000049  }
0xb2: {  	s29 =	simm.s32 $0x9;
	_ =	strace $0x8000004B  }
0xb3: {  	_ =	swait.ge [sflag:s29], $0x1  }
0xb4: {  	[sflag:s29] =	ssyncadd.s32 $0xFFFFFFFF  }
0xb5: {  	_ =	strace $0x9000004B  }
0xb6: {  	_ =	sfence  }
0xb7: {  	s30 =	sld [smem:$0x0];
	_ =	sdelay $0x2  }
0xb8: {  	s31 =	sshll.u32 s1, $0xD;
	s1 =	sshrl.u32 s1, $0x2  }
0xb9: {  	s3 =	sand.u32 $0x4000, s31;
	s1 =	sadd.s32 s1, s30  }
0xba: {  	s0 =	sor.u32 s3, s0;
	s1 =	sshll.u32 s1, $0x11  }
0xbb: {  	s0 =	sor.u32 s1, s0  }
0xbc: {  	s0 =	sadd.s32 $0x8F2B, s0  }
0xbd: {  	[sflag:s0] =	ssyncadd.remote.s32 $0x1  }
0xbe: {  	_ =	sfence.sel $0xFFFF  }
0xbf: {  	[dreg:$0x0] =	wrdreg $0xFFFFFFFF;
	(pc) =	sbr.abs _section_cstart, $3  }
0xc0: {  	[dreg:$0x1] =	wrdreg $0xFFFFFFFF  }
0xc1: {  	_ =	task.clear_ibuf [dreg:s6], $0x2FFFF;
	_ =	strace $0x9FFFFFFF  }
0xc2: {  	(tm) =	ssettm $0x7FFFFFFF  }
0xc3: {  	_ =	shalt  }
tec
execute0_lowered:
.L_overlay_start_1:
0x0: {  	(tag) =	ssettag $0x1  }
0x1: {  	s5 =	rddreg [dreg:$0x0]  }
0x2: {  	s2 =	rddreg [dreg:$0x1]  }
0x3: {  	s0 =	rddreg [dreg:$0x2]  }
0x4: {  	s3 =	simm.s32 $0x0;
	s1 =	stileid.u32;
	s7 =	srdreg.scid  }
0x5: {  	s21 =	simm.s32 $0x1;
	s22 =	simm.s32 $0x0;
	s6 =	smul.u32 $0x9E0, s1  }
0x6: {  	[smem:$0x7FF] =	sst s3;
	s4 =	sadd.s32 $0x16600, s5;
	s24 =	smul.u32 $0x50000, s1  }
0x7: {  	s12 =	sand.u32 $0x1, s7;
	s9 =	smul.u32 $0x14000, s1;
	s15 =	sadd.s32 $0x3E600, s5  }
0x8: {  	_ =	strace $0x8000004A;
	s25 =	ssub.s32 $0x2, s12;
	s18 =	smul.u32 $0x140000, s12  }
0x9: {  	s28 =	smul.u32 $0x4F0, s12;
	s14 =	sadd.s32 s6, s5;
	s26 =	sshrl.u32 s25, $0x1  }
0xa: {  	s7 =	sshrl.u32 s24, $0x2;
	s10 =	sadd.s32 $0x4000, s9;
	s13 =	sadd.s32 $0x8000, s9  }
0xb: {  	s17 =	sadd.s32 $0xC000, s9;
	s19 =	sadd.s32 $0x10000, s9;
	s16 =	ssub.s32 s25, s26  }
0xc: {  	s5 =	sadd.s32 s7, s2;
	s6 =	sadd.s32 s10, s2;
	s7 =	sadd.s32 s13, s2  }
0xd: {  	s8 =	sadd.s32 s17, s2;
	s11 =	sadd.s32 s9, s18;
	s10 =	sadd.s32 s18, s10  }
0xe: {  	s9 =	sadd.s32 s19, s2;
	s13 =	sadd.s32 s18, s13;
	s17 =	sadd.s32 s18, s17  }
0xf: {  	s30 =	sadd.s32 s18, s19;
	s31 =	sadd.s32 s28, s14;
	s18 =	simm.s32 $0x100  }
0x10: {  	s19 =	simm.s32 $0x2;
	s11 =	sshrl.u32 s11, $0x3;
	s20 =	sshrl.u32 s10, $0x3  }
0x11: {  	s13 =	sshrl.u32 s13, $0x3;
	s29 =	sshrl.u32 s17, $0x3;
	s17 =	sshrl.u32 s30, $0x3  }
0x12: {  	s10 =	sadd.s32 s15, s11;
	s11 =	sadd.s32 s15, s20;
	s12 =	sadd.s32 s15, s13  }
0x13: {  	s13 =	sadd.s32 s15, s29;
	s14 =	sadd.s32 s15, s17;
	s15 =	smax.u32 s16, $0x1  }
0x14: {  	v0 =	vimm.f32 $0.0e+00;
	s16 =	sadd.s32 $0xC800, s31;
	s17 =	sadd.s32 $0x2A00, s31;
	s20 =	simm.s32 $0x80  }
.LBB2_1:
0x15: {  	s23 =	simm.s32 $0x0;
	s24 =	simm.s32 $0x200  }
.LBB2_2:
0x16: {  	p0 =	sne.s32 s24, $0xFE00;
	[tilespmem:s23+$0x170] =	vst v0  }
0x17: {  	[tilespmem:s23+$0x100] =	vst v0  }
0x18: {  	[tilespmem:s23+$0x110] =	vst v0  }
.Ltmp0:
0x19: {  	[tilespmem:s23+$0x120] =	vst v0;
	(pc) =	sbr.rel @p0 .LBB2_2-.Ltmp0, $4  }
0x1a: {  	[tilespmem:s23+$0x130] =	vst v0  }
0x1b: {  	[tilespmem:s23+$0x140] =	vst v0  }
0x1c: {  	[tilespmem:s23+$0x150] =	vst v0  }
0x1d: {  	[tilespmem:s23+$0x160] =	vst v0;
	s23 =	sshra.s32 s24, $0x2;
	s24 =	sadd.s32 $0x200, s24  }
0x1e: {  	[tilespmem:s23+$0x170] =	vst v0  }
0x1f: {  	[tilespmem:s23+$0x100] =	vst v0  }
0x20: {  	[tilespmem:s23+$0x110] =	vst v0  }
0x21: {  	[tilespmem:s23+$0x120] =	vst v0  }
0x22: {  	[tilespmem:s23+$0x130] =	vst v0  }
0x23: {  	[tilespmem:s23+$0x140] =	vst v0  }
0x24: {  	[tilespmem:s23+$0x150] =	vst v0  }
0x25: {  	[tilespmem:s23+$0x160] =	vst v0  }
0x26: {  	[spmem:s5] =	stream.linear.scatter [tilespmem:s18], [sflag:$0x2], $0x4000, $0x38;
	[tilespmem:$0x18100] =	vst v63  }
0x27: {  	_ =	swait.ge [sflag:s19], $0x4000  }
0x28: {  	[sflag:s19] =	ssyncset.done $0x0  }
0x29: {  	[sflag:s19] =	ssyncadd.s32 $0xFFFFC000  }
0x2a: {  	[spmem:s6] =	stream.linear.scatter [tilespmem:s18], [sflag:$0x2], $0x4000, $0x38;
	[tilespmem:$0x18100] =	vst v63  }
0x2b: {  	_ =	swait.ge [sflag:s19], $0x4000  }
0x2c: {  	[sflag:s19] =	ssyncset.done $0x0  }
0x2d: {  	[sflag:s19] =	ssyncadd.s32 $0xFFFFC000  }
0x2e: {  	[spmem:s7] =	stream.linear.scatter [tilespmem:s18], [sflag:$0x2], $0x4000, $0x38;
	[tilespmem:$0x18100] =	vst v63  }
0x2f: {  	_ =	swait.ge [sflag:s19], $0x4000  }
0x30: {  	[sflag:s19] =	ssyncset.done $0x0  }
0x31: {  	[sflag:s19] =	ssyncadd.s32 $0xFFFFC000  }
0x32: {  	[spmem:s8] =	stream.linear.scatter [tilespmem:s18], [sflag:$0x2], $0x4000, $0x38;
	[tilespmem:$0x18100] =	vst v63  }
0x33: {  	_ =	swait.ge [sflag:s19], $0x4000  }
0x34: {  	[sflag:s19] =	ssyncset.done $0x0  }
0x35: {  	[sflag:s19] =	ssyncadd.s32 $0xFFFFC000  }
0x36: {  	[spmem:s9] =	stream.linear.scatter [tilespmem:s18], [sflag:$0x2], $0x4000, $0x38;
	[tilespmem:$0x18100] =	vst v63  }
0x37: {  	_ =	swait.ge [sflag:s19], $0x4000  }
0x38: {  	[sflag:s19] =	ssyncset.done $0x0  }
0x39: {  	[sflag:s19] =	ssyncadd.s32 $0xFFFFC000  }
0x3a: {  	s30 =	sadd.s32 $0x0, s16;
	[bflag:$0x0] =	sbarrier.arrive $0xFFFF  }
0x3b: {  	[tilespmem:s3], [sflag:$0x2] =	stream.linear.gather [hbm4b:s30+s3], $0x80, $0x38;
	[tilespmem:$0x18100] =	vst v63  }
0x3c: {  	_ =	swait.ge [sflag:s19], $0x80  }
0x3d: {  	[sflag:s19] =	ssyncset.done $0x0  }
0x3e: {  	s31 =	sadd.s32 $0x0, s17;
	[sflag:s19] =	ssyncadd.s32 $0xFFFFFF80  }
0x3f: {  	[tilespmem:s20], [sflag:$0x2] =	stream.linear.gather [hbm4b:s31+s3], $0x80, $0x38;
	[tilespmem:$0x18100] =	vst v63  }
0x40: {  	_ =	swait.ge [sflag:s19], $0x80  }
0x41: {  	[sflag:s19] =	ssyncset.done $0x0  }
0x42: {  	[sflag:s19] =	ssyncadd.s32 $0xFFFFFF80  }
0x43: {  	[tilespmem:s18], [sflag:$0x1] =	stream.indirect.gather [hbm4b:s4+s20], $0x80, s3, s20, $0xb8;
	[tilespmem:$0x18100] =	vst v63  }
0x44: {  	_ =	swait.ge [sflag:s21], $0x4000  }
0x45: {  	[sflag:s21] =	ssyncset.done $0x0  }
0x46: {  	[sflag:s21] =	ssyncadd.s32 $0xFFFFC000  }
0x47: {  	[spmem:s2] =	stream.indirect.scatter.add.f32 [tilespmem:s18], [sflag:$0x2], $0x80, s20, s20, $0xb8;
	[tilespmem:$0x18100] =	vst v63  }
0x48: {  	_ =	swait.ge [sflag:s19], $0x4000  }
0x49: {  	s23 =	simm.s32 $0x10;
	s24 =	simm.s32 $0x20;
	[sflag:s19] =	ssyncset.done $0x0  }
.LBB2_4:
0x4a: {  	s25 =	sadd.s32 s23, s16  }
0x4b: {  	[sflag:s19] =	ssyncadd.s32 $0xFFFFC000;
	s26 =	smov.u32 s24;
	s28 =	sadd.s32 $0x10, s24  }
0x4c: {  	[tilespmem:s3], [sflag:$0x2] =	stream.linear.gather [hbm4b:s25+s3], $0x80, $0x38;
	[tilespmem:$0x18100] =	vst v63  }
0x4d: {  	p0 =	sne.s32 s24, $0x4E0;
	_ =	swait.ge [sflag:s19], $0x80  }
0x4e: {  	[sflag:s19] =	ssyncset.done $0x0  }
0x4f: {  	s24 =	sadd.s32 s23, s17;
	s23 =	smov.u32 s26;
	[sflag:s19] =	ssyncadd.s32 $0xFFFFFF80  }
0x50: {  	[tilespmem:s20], [sflag:$0x2] =	stream.linear.gather [hbm4b:s24+s3], $0x80, $0x38;
	[tilespmem:$0x18100] =	vst v63  }
0x51: {  	_ =	swait.ge [sflag:s19], $0x80  }
0x52: {  	[sflag:s19] =	ssyncset.done $0x0  }
0x53: {  	[sflag:s19] =	ssyncadd.s32 $0xFFFFFF80  }
0x54: {  	[tilespmem:s18], [sflag:$0x1] =	stream.indirect.gather [hbm4b:s4+s20], $0x80, s3, s20, $0xb8;
	[tilespmem:$0x18100] =	vst v63  }
0x55: {  	_ =	swait.ge [sflag:s21], $0x4000  }
.Ltmp1:
0x56: {  	[sflag:s21] =	ssyncset.done $0x0;
	(pc) =	sbr.rel @p0 .LBB2_4-.Ltmp1, $4  }
0x57: {  	[sflag:s21] =	ssyncadd.s32 $0xFFFFC000  }
0x58: {  	[spmem:s2] =	stream.indirect.scatter.add.f32 [tilespmem:s18], [sflag:$0x2], $0x80, s20, s20, $0xb8;
	[tilespmem:$0x18100] =	vst v63  }
0x59: {  	_ =	swait.ge [sflag:s19], $0x4000  }
0x5a: {  	s24 =	smov.u32 s28;
	[sflag:s19] =	ssyncset.done $0x0  }
0x5b: {  	s24 =	sadd.s32 s23, s16;
	[sflag:s19] =	ssyncadd.s32 $0xFFFFC000  }
0x5c: {  	[tilespmem:s3], [sflag:$0x2] =	stream.linear.gather [hbm4b:s24+s3], $0x80, $0x38;
	[tilespmem:$0x18100] =	vst v63  }
0x5d: {  	_ =	swait.ge [sflag:s19], $0x80  }
0x5e: {  	[sflag:s19] =	ssyncset.done $0x0  }
0x5f: {  	s31 =	sadd.s32 s23, s17;
	[sflag:s19] =	ssyncadd.s32 $0xFFFFFF80  }
0x60: {  	[tilespmem:s20], [sflag:$0x2] =	stream.linear.gather [hbm4b:s31+s3], $0x80, $0x38;
	[tilespmem:$0x18100] =	vst v63  }
0x61: {  	_ =	swait.ge [sflag:s19], $0x80  }
0x62: {  	[sflag:s19] =	ssyncset.done $0x0  }
0x63: {  	[sflag:s19] =	ssyncadd.s32 $0xFFFFFF80  }
0x64: {  	[tilespmem:s18], [sflag:$0x1] =	stream.indirect.gather [hbm4b:s4+s20], $0x80, s3, s20, $0xb8;
	[tilespmem:$0x18100] =	vst v63  }
0x65: {  	_ =	swait.ge [sflag:s21], $0x4000  }
0x66: {  	[sflag:s21] =	ssyncset.done $0x0  }
0x67: {  	[sflag:s21] =	ssyncadd.s32 $0xFFFFC000  }
0x68: {  	[spmem:s2] =	stream.indirect.scatter.add.f32 [tilespmem:s18], [sflag:$0x2], $0x80, s20, s20, $0xb8;
	[tilespmem:$0x18100] =	vst v63  }
0x69: {  	_ =	swait.ge [sflag:s19], $0x4000  }
0x6a: {  	[sflag:s19] =	ssyncset.done $0x0  }
0x6b: {  	[sflag:s19] =	ssyncadd.s32 $0xFFFFC000  }
0x6c: {  	[bflag:$0x0] =	sbarrier.arrive $0xFFFF  }
0x6d: {  	[tilespmem:s18], [sflag:$0x2] =	stream.linear.gather [spmem:s5], $0x4000, $0x38;
	[tilespmem:$0x18100] =	vst v63  }
0x6e: {  	_ =	swait.ge [sflag:s19], $0x4000  }
0x6f: {  	[sflag:s19] =	ssyncset.done $0x0  }
0x70: {  	[sflag:s19] =	ssyncadd.s32 $0xFFFFC000  }
0x71: {  	[hbm4b:s10+s3] =	stream.linear.scatter [tilespmem:s18], [sflag:$0x2], $0x4000, $0x38;
	[tilespmem:$0x18100] =	vst v63  }
0x72: {  	_ =	swait.ge [sflag:s19], $0x4000  }
0x73: {  	[sflag:s19] =	ssyncset.done $0x0  }
0x74: {  	[sflag:s19] =	ssyncadd.s32 $0xFFFFC000  }
0x75: {  	[tilespmem:s18], [sflag:$0x2] =	stream.linear.gather [spmem:s6], $0x4000, $0x38;
	[tilespmem:$0x18100] =	vst v63  }
0x76: {  	_ =	swait.ge [sflag:s19], $0x4000  }
0x77: {  	[sflag:s19] =	ssyncset.done $0x0  }
0x78: {  	[sflag:s19] =	ssyncadd.s32 $0xFFFFC000  }
0x79: {  	[hbm4b:s11+s3] =	stream.linear.scatter [tilespmem:s18], [sflag:$0x2], $0x4000, $0x38;
	[tilespmem:$0x18100] =	vst v63  }
0x7a: {  	_ =	swait.ge [sflag:s19], $0x4000  }
0x7b: {  	[sflag:s19] =	ssyncset.done $0x0  }
0x7c: {  	[sflag:s19] =	ssyncadd.s32 $0xFFFFC000  }
0x7d: {  	[tilespmem:s18], [sflag:$0x2] =	stream.linear.gather [spmem:s7], $0x4000, $0x38;
	[tilespmem:$0x18100] =	vst v63  }
0x7e: {  	_ =	swait.ge [sflag:s19], $0x4000  }
0x7f: {  	[sflag:s19] =	ssyncset.done $0x0  }
0x80: {  	[sflag:s19] =	ssyncadd.s32 $0xFFFFC000  }
0x81: {  	[hbm4b:s12+s3] =	stream.linear.scatter [tilespmem:s18], [sflag:$0x2], $0x4000, $0x38;
	[tilespmem:$0x18100] =	vst v63  }
0x82: {  	_ =	swait.ge [sflag:s19], $0x4000  }
0x83: {  	[sflag:s19] =	ssyncset.done $0x0  }
0x84: {  	[sflag:s19] =	ssyncadd.s32 $0xFFFFC000  }
0x85: {  	[tilespmem:s18], [sflag:$0x2] =	stream.linear.gather [spmem:s8], $0x4000, $0x38;
	[tilespmem:$0x18100] =	vst v63  }
0x86: {  	_ =	swait.ge [sflag:s19], $0x4000  }
0x87: {  	[sflag:s19] =	ssyncset.done $0x0  }
0x88: {  	[sflag:s19] =	ssyncadd.s32 $0xFFFFC000  }
0x89: {  	[hbm4b:s13+s3] =	stream.linear.scatter [tilespmem:s18], [sflag:$0x2], $0x4000, $0x38;
	[tilespmem:$0x18100] =	vst v63  }
0x8a: {  	_ =	swait.ge [sflag:s19], $0x4000  }
0x8b: {  	[sflag:s19] =	ssyncset.done $0x0  }
0x8c: {  	[sflag:s19] =	ssyncadd.s32 $0xFFFFC000  }
0x8d: {  	[tilespmem:s18], [sflag:$0x2] =	stream.linear.gather [spmem:s9], $0x4000, $0x38;
	[tilespmem:$0x18100] =	vst v63  }
0x8e: {  	s22 =	sadd.s32 $0x1, s22;
	_ =	swait.ge [sflag:s19], $0x4000  }
0x8f: {  	p0 =	sne.s32 s22, s15;
	[sflag:s19] =	ssyncset.done $0x0  }
.Ltmp2:
0x90: {  	[sflag:s19] =	ssyncadd.s32 $0xFFFFC000;
	(pc) =	sbr.rel @p0 .LBB2_1-.Ltmp2, $4  }
0x91: {  	[hbm4b:s14+s3] =	stream.linear.scatter [tilespmem:s18], [sflag:$0x2], $0x4000, $0x38;
	[tilespmem:$0x18100] =	vst v63  }
0x92: {  	_ =	swait.ge [sflag:s19], $0x4000  }
0x93: {  	[sflag:s19] =	ssyncset.done $0x0  }
0x94: {  	[sflag:s19] =	ssyncadd.s32 $0xFFFFC000  }
0x95: {  	_ =	sfence.sel $0x180000  }
0x96: {  	[bflag:$0x0] =	sbarrier.arrive $0xFFFF  }
0x97: {  	p0 =	sne.s32 s1, $0x0;
	_ =	strace $0x9000004A  }
0x98: {  	s0 =	sadd.s32 @!p0 $0x100000, s0;
	[bflag:$0x2] =	sbarrier.arrive $0xFFFF  }
0x99: {  	[sflag:s0] =	ssyncadd.tile.s32 @!p0 $0x1;
	_ =	shalt  }
.Lfunc_end2:
_tile_overlayer_lowered:
.L_overlay_start_2:
0x9a: {  	(tag) =	ssettag $0x2  }
0x9b: {  	s0 =	rddreg [dreg:$0x0];
	s2 =	stileid.u32  }
0x9c: {  	s1 =	rddreg [dreg:$0x1];
	p0 =	sne.s32 s2, $0x0  }
0x9d: {  	s3 =	rddreg [dreg:$0x2];
	[bflag:$0x3] =	sbarrier.arrive $0xFFFF;
	s2 =	simm.s32 @!p0 $0x1C02  }
0x9e: {  	[timem:s3], [sflag:s2] =	dma.local @!p0 [hbm:s0], s1  }
0x9f: {  	s0 =	simm.s32 @!p0 $0x2  }
0xa0: {  	_ =	swait.ge @!p0 [sflag:s0], s1  }
0xa1: {  	s1 =	ssub.s32 @!p0 $0x0, s1;
	[sflag:s0] =	ssyncset.done @!p0 $0x0  }
0xa2: {  	[sflag:s0] =	ssyncadd.s32 @!p0 s1  }
0xa3: {  	[bflag:$0x3] =	sbarrier.arrive $0xFFFF  }
0xa4: {  	_ =	shalt  }

// kernel: kernel.15.cloned.1.call-start
scs
__scs_entry_jumppad:
0x0: {  	(pc) =	sbr.rel $0x88, $3  }
0x1: {  	(tag) =	ssettag $0x0;
	lr =	simm.s32 $0x1  }
0x2: {  	[smem:$0x3F97] =	sst lr;
	_ =	strace $0xD0000000  }
0x3: {  	_ = 	snop  }
0x4: {  	_ = 	snop  }
0x5: {  	_ = 	snop  }
0x6: {  	_ = 	snop  }
0x7: {  	_ = 	snop  }
__scs_overlays_trampoline_lowered:
0x8: {  	[smem:$0x3FA6] =	sst s0  }
0x9: {  	[smem:$0x3FA7] =	sst s1  }
0xa: {  	[smem:$0x3FA8] =	sst s2  }
0xb: {  	[smem:$0x3FA9] =	sst s3  }
0xc: {  	[smem:$0x3FAA] =	sst s4  }
0xd: {  	[smem:$0x3FAB] =	sst s5  }
0xe: {  	[smem:$0x3FAC] =	sst s6  }
0xf: {  	[smem:$0x3FAD] =	sst s7  }
0x10: {  	[smem:$0x3FAE] =	sst s8  }
0x11: {  	[smem:$0x3FAF] =	sst s9;
	s0 =	simm.s32 @!p0 $0x0  }
0x12: {  	s1 =	sld [smem:$0x3F95];
	s0 =	simm.s32 @p0 $0x1  }
0x13: {  	[smem:$0x3FB0] =	sst s0;
	s0 =	simm.s32 @!p1 $0x0  }
0x14: {  	s2 =	sld [smem:$0x3F94];
	s0 =	simm.s32 @p1 $0x1  }
0x15: {  	[smem:$0x3FB1] =	sst s0;
	s0 =	simm.s32 @!p2 $0x0  }
0x16: {  	s3 =	sld [smem:$0x3FDB];
	s0 =	simm.s32 @p2 $0x1  }
0x17: {  	s4 =	simm.s32 $0x1BF5;
	[smem:$0x3FB3] =	sst s0  }
0x18: {  	s0 =	sld [smem:$0x3F96];
	_ =	swait.ge [sflag:s4], $0x0  }
0x19: {  	s7 =	sld [smem:$0x3F97]  }
0x1a: {  	s8 =	sadd.s32 $0xFFFFE003, lr  }
0x1b: {  	s9 =	sadd.s32 $0xFFFFFEF7, lr;
	s5 =	simm.s32 $0xFFFFFFFF;
	p2 =	slt.u32 s8, $0xFFFFF086  }
0x1c: {  	p1 =	slt.u32 s9, $0xF7A;
	s5 =	simm.s32 @!p2 $0x0  }
0x1d: {  	s5 =	simm.s32 @p1 $0x1;
	p0 =	seq.s32 s7, s2  }
0x1e: {  	s7 =	smul.u32 @!p0 $0xF7A, s2;
	p2 =	seq.s32 @!p0 s5, $0x0  }
0x1f: {  	s9 =	smul.u32 $0xF7A, s1;
	s8 =	simm.s32 @!p0 $0x1BF5;
	p2 =	por !p2, p0  }
0x20: {  	[sflag:s8] =	ssyncset.s32 @!p0 $0xFFFFF086;
	s6 =	sadd.s32 @!p0 s3, s7;
	s7 =	simm.s32 @!p0 $0x108  }
0x21: {  	s3 =	sadd.s32 s3, s9;
	s6 =	sadd.s32 @!p0 $0x88, s6;
	s7 =	simm.s32 @p2 $0x1082  }
0x22: {  	[simem:s7], [sflag:s8] =	dma.local @!p0 [hbm:s6], $0xF7A  }
0x23: {  	s9 =	sor.u32 $0xD0000000, s2;
	s6 =	simm.s32 $0x108;
	_ =	swait.ge @!p0 [sflag:s8], $0x0  }
0x24: {  	s3 =	sadd.s32 $0x88, s3;
	s6 =	simm.s32 @!p1 $0x1082;
	[sflag:s4] =	ssyncset.s32 $0xFFFFF086  }
0x25: {  	[simem:s6], [sflag:s4] =	dma.local [hbm:s3], $0xF7A  }
0x26: {  	[smem:$0x3F97] =	sst s1;
	(tag) =	ssettag s2;
	_ =	strace s9  }
0x27: {  	s1 =	sld [smem:$0x3FA7]  }
0x28: {  	s2 =	sld [smem:$0x3FA8]  }
0x29: {  	s4 =	sld [smem:$0x3FAA]  }
0x2a: {  	p0 =	seq.s32 s5, $0x0;
	s5 =	sld [smem:$0x3FAB]  }
0x2b: {  	s6 =	sld [smem:$0x3FAC]  }
0x2c: {  	s7 =	sld [smem:$0x3FAD]  }
0x2d: {  	s3 =	simm.s32 $0x108;
	s8 =	sld [smem:$0x3FAE]  }
0x2e: {  	s3 =	simm.s32 @!p0 $0x1082;
	s9 =	sld [smem:$0x3FAF]  }
0x2f: {  	lr =	sadd.s32 s0, s3;
	s0 =	sld [smem:$0x3FA6]  }
0x30: {  	s3 =	sld [smem:$0x3FA9]  }
0x31: {  	[smem:$0x3FB2] =	sst s10  }
0x32: {  	s10 =	sld [smem:$0x3FB0];
	_ =	sdelay $0x3  }
0x33: {  	p0 =	seq.s32 s10, $0x1;
	s10 =	sld [smem:$0x3FB2];
	_ =	sdelay $0x3  }
0x34: {  	[smem:$0x3FB2] =	sst s10  }
0x35: {  	s10 =	sld [smem:$0x3FB1];
	_ =	sdelay $0x3  }
0x36: {  	p1 =	seq.s32 s10, $0x1;
	s10 =	sld [smem:$0x3FB2];
	_ =	sdelay $0x3  }
0x37: {  	[smem:$0x3FB2] =	sst s10  }
0x38: {  	s10 =	sld [smem:$0x3FB3]  }
0x39: {  	_ = 	snop;
	(pc) =	sbr.ind lr, $3  }
0x3a: {  	_ = 	snop  }
0x3b: {  	_ = 	snop  }
0x3c: {  	p2 =	seq.s32 s10, $0x1;
	s10 =	sld [smem:$0x3FB2]  }
0x3d: {  	_ =	shalt  }
0x3e: {  	_ =	shalt  }
0x3f: {  	_ =	shalt  }
0x40: {  	_ =	shalt  }
0x41: {  	_ =	shalt  }
0x42: {  	_ =	shalt  }
0x43: {  	_ =	shalt  }
0x44: {  	_ =	shalt  }
0x45: {  	_ =	shalt  }
0x46: {  	_ =	shalt  }
0x47: {  	_ =	shalt  }
0x48: {  	_ =	shalt  }
0x49: {  	_ =	shalt  }
0x4a: {  	_ =	shalt  }
0x4b: {  	_ =	shalt  }
0x4c: {  	_ =	shalt  }
0x4d: {  	_ =	shalt  }
0x4e: {  	_ =	shalt  }
0x4f: {  	_ =	shalt  }
0x50: {  	_ =	shalt  }
0x51: {  	_ =	shalt  }
0x52: {  	_ =	shalt  }
0x53: {  	_ =	shalt  }
0x54: {  	_ =	shalt  }
0x55: {  	_ =	shalt  }
0x56: {  	_ =	shalt  }
0x57: {  	_ =	shalt  }
0x58: {  	_ =	shalt  }
0x59: {  	_ =	shalt  }
0x5a: {  	_ =	shalt  }
0x5b: {  	_ =	shalt  }
0x5c: {  	_ =	shalt  }
0x5d: {  	_ =	shalt  }
0x5e: {  	_ =	shalt  }
0x5f: {  	_ =	shalt  }
0x60: {  	_ =	shalt  }
0x61: {  	_ =	shalt  }
0x62: {  	_ =	shalt  }
0x63: {  	_ =	shalt  }
0x64: {  	_ =	shalt  }
0x65: {  	_ =	shalt  }
0x66: {  	_ =	shalt  }
0x67: {  	_ =	shalt  }
0x68: {  	_ =	shalt  }
0x69: {  	_ =	shalt  }
0x6a: {  	_ =	shalt  }
0x6b: {  	_ =	shalt  }
0x6c: {  	_ =	shalt  }
0x6d: {  	_ =	shalt  }
0x6e: {  	_ =	shalt  }
0x6f: {  	_ =	shalt  }
0x70: {  	_ =	shalt  }
0x71: {  	_ =	shalt  }
0x72: {  	_ =	shalt  }
0x73: {  	_ =	shalt  }
0x74: {  	_ =	shalt  }
0x75: {  	_ =	shalt  }
0x76: {  	_ =	shalt  }
0x77: {  	_ =	shalt  }
0x78: {  	_ =	shalt  }
0x79: {  	_ =	shalt  }
0x7a: {  	_ =	shalt  }
0x7b: {  	_ =	shalt  }
0x7c: {  	_ =	shalt  }
0x7d: {  	_ =	shalt  }
0x7e: {  	_ =	shalt  }
0x7f: {  	_ =	shalt  }
0x80: {  	_ =	shalt  }
0x81: {  	_ =	shalt  }
0x82: {  	_ =	shalt  }
0x83: {  	_ =	shalt  }
0x84: {  	_ =	shalt  }
0x85: {  	_ =	shalt  }
0x86: {  	_ =	shalt  }
0x87: {  	_ =	shalt  }
.Lfunc_end0:
.L_simem_size_0:
called_computation.2_lowered:
.L_overlay_start_0:
0x88: {  	s2 =	sld [smem:$0x3FD9]  }
0x89: {  	s3 =	sld [smem:$0x3FFE];
	_ =	sdelay $0x1  }
0x8a: {  	s1 =	srdreg.scid  }
0x8b: {  	s0 =	sand.u32 $0x1, s1  }
0x8c: {  	s16 =	sshll.u32 s0, $0xA;
	s2 =	sadd.s32 s3, s2  }
0x8d: {  	s2 =	sadd.s32 s2, s16  }
0x8e: {  	[smem:$0x3FBE] =	sst s2  }
0x8f: {  	_ = 	snop  }
0x90: {  	(tm) =	ssettm $0x1  }
0x91: {  	s17 =	sld [smem:$0x3FFB];
	_ =	sdelay $0x3  }
0x92: {  	_ =	strace s17  }
0x93: {  	s2 =	sld [smem:$0x3FFC];
	_ =	sdelay $0x3  }
0x94: {  	_ =	strace s2  }
0x95: {  	s2 =	sld [smem:$0x3FFD];
	_ =	sdelay $0x3  }
0x96: {  	_ =	strace s2  }
0x97: {  	_ =	strace $0x8FFFFFFF  }
0x98: {  	s18 =	sld [smem:$0x3FDB];
	_ =	sdelay $0x1  }
0x99: {  	s19 =	simm.s32 $_scs_section_size  }
0x9a: {  	s4 =	simm.s32 $_size__tile_overlayer_lowered;
	s5 =	simm.s32 $_tile_overlayer_lowered  }
0x9b: {  	s22 =	simm.s32 $0x1BFF;
	s21 =	sshll.u32 s5, $0x1;
	s2 =	sadd.s32 s19, s18  }
0x9c: {  	s6 =	simm.s32 $0x0;
	s20 =	sshll.u32 s4, $0x1;
	s4 =	sadd.s32 s21, s2  }
0x9d: {  	[timem:s6], [sflag:s22] =	dma.local [hbm:s4], s20  }
0x9e: {  	_ =	swait.ge [sflag:s22], s20  }
0x9f: {  	s3 =	ssub.s32 $0x0, s20;
	[sflag:s22] =	ssyncset.done $0x0  }
0xa0: {  	[sflag:s22] =	ssyncadd.s32 s3;
	_ =	sdelay $0x1  }
0xa1: {  	s23 =	simm.s32 $0x1B8B  }
0xa2: {  	_ =	swait.ge [sflag:s23], $0x1  }
0xa3: {  	[sflag:s23] =	ssyncset.done $0x0  }
0xa4: {  	s25 =	simm.s32 $0x1B8E;
	s24 =	sld [smem:$0x3FFE];
	[sflag:s23] =	ssyncadd.s32 $0xFFFFFFFF  }
0xa5: {  	s26 =	simm.s32 $execute0_lowered;
	[smem:$0x3FD2] =	sst s25  }
0xa6: {  	s4 =	sshll.u32 s26, $0x1;
	_ =	strace $0x8000004C;
	[dreg:$0x1] =	wrdreg $0xFFFFFFFF  }
0xa7: {  	s28 =	simm.s32 $_size_execute0_lowered;
	s2 =	sadd.s32 s2, s4;
	[dreg:$0x0] =	wrdreg $0x0  }
0xa8: {  	s4 =	sshll.u32 s28, $0x1;
	[dreg:$0x2] =	wrdreg s2  }
0xa9: {  	[dreg:$0x3] =	wrdreg s4  }
0xaa: {  	[dreg:$0x4] =	wrdreg $0xC0  }
0xab: {  	_ =	task [dreg:s6], $0x5FFFF  }
0xac: {  	[dreg:$0x1] =	wrdreg $0xFFFFFFFF  }
0xad: {  	[dreg:$0x0] =	wrdreg $0x60  }
0xae: {  	[dreg:$0x2] =	wrdreg s24  }
0xaf: {  	[dreg:$0x3] =	wrdreg $0x9  }
0xb0: {  	_ =	task.clear_ibuf [dreg:s6], $0x4FFFF;
	_ =	strace $0x9000004C  }
0xb1: {  	s29 =	simm.s32 $0x9;
	_ =	strace $0x8000004E  }
0xb2: {  	_ =	swait.ge [sflag:s29], $0x1  }
0xb3: {  	[sflag:s29] =	ssyncadd.s32 $0xFFFFFFFF  }
0xb4: {  	_ =	strace $0x9000004E  }
0xb5: {  	_ =	sfence  }
0xb6: {  	s30 =	sld [smem:$0x0];
	_ =	sdelay $0x2  }
0xb7: {  	s31 =	sshll.u32 s1, $0xD;
	s1 =	sshrl.u32 s1, $0x2  }
0xb8: {  	s3 =	sand.u32 $0x4000, s31;
	s1 =	sadd.s32 s1, s30  }
0xb9: {  	s0 =	sor.u32 s3, s0;
	s1 =	sshll.u32 s1, $0x11  }
0xba: {  	s0 =	sor.u32 s1, s0  }
0xbb: {  	s0 =	sadd.s32 $0x8F2B, s0  }
0xbc: {  	[sflag:s0] =	ssyncadd.remote.s32 $0x1  }
0xbd: {  	_ =	sfence.sel $0xFFFF  }
0xbe: {  	[dreg:$0x0] =	wrdreg $0xFFFFFFFF;
	(pc) =	sbr.abs _section_cstart, $3  }
0xbf: {  	[dreg:$0x1] =	wrdreg $0xFFFFFFFF  }
0xc0: {  	_ =	task.clear_ibuf [dreg:s6], $0x2FFFF;
	_ =	strace $0x9FFFFFFF  }
0xc1: {  	(tm) =	ssettm $0x7FFFFFFF  }
tec
execute0_lowered:
.L_overlay_start_1:
0x0: {  	(tag) =	ssettag $0x1  }
0x1: {  	s6 =	rddreg [dreg:$0x0]  }
0x2: {  	s0 =	rddreg [dreg:$0x1]  }
0x3: {  	s1 =	simm.s32 $0x0;
	s2 =	srdreg.scid;
	s11 =	simm.s32 $0x100  }
0x4: {  	s12 =	simm.s32 $0x4100;
	s13 =	simm.s32 $0x1;
	s14 =	simm.s32 $0x2  }
0x5: {  	s15 =	simm.s32 $0x0;
	[smem:$0x7FF] =	sst s1;
	s3 =	sadd.s32 $0x16600, s6  }
0x6: {  	s7 =	sand.u32 $0x1, s2;
	s4 =	sadd.s32 $0xC800, s6;
	s2 =	stileid.u32  }
0x7: {  	s5 =	sadd.s32 $0x2A00, s6;
	s6 =	sadd.s32 $0x3E600, s6;
	s8 =	ssub.s32 $0x2, s7  }
0x8: {  	_ =	strace $0x8000004D;
	s10 =	sshll.u32 s2, $0x1;
	s9 =	sshrl.u32 s8, $0x1  }
0x9: {  	s7 =	sor.u32 s7, s10;
	s10 =	simm.s32 $0x80;
	s8 =	ssub.s32 s8, s9  }
0xa: {  	s7 =	smul.u32 $0x4F, s7;
	s9 =	simm.s32 $0x3;
	s8 =	smax.u32 s8, $0x1  }
.LBB2_1:
0xb: {  	s16 =	simm.s32 $0x0  }
.LBB2_2:
0xc: {  	s17 =	sadd.s32 s7, s16  }
0xd: {  	s18 =	sshll.u32 s17, $0x4  }
0xe: {  	s20 =	simm.s32 $0x0;
	s19 =	sadd.s32 s4, s18  }
0xf: {  	[tilespmem:s20], [sflag:$0x3] =	stream.linear.gather [hbm4b:s19+s20], $0x80, $0x38;
	[tilespmem:$0x8100] =	vst v63  }
0x10: {  	_ =	swait.ge [sflag:s9], $0x80  }
0x11: {  	[sflag:s9] =	ssyncset.done $0x0  }
0x12: {  	s18 =	sadd.s32 s5, s18;
	[sflag:s9] =	ssyncadd.s32 $0xFFFFFF80  }
0x13: {  	[tilespmem:s10], [sflag:$0x3] =	stream.linear.gather [hbm4b:s18+s20], $0x80, $0x38;
	[tilespmem:$0x8100] =	vst v63  }
0x14: {  	_ =	swait.ge [sflag:s9], $0x80  }
0x15: {  	[sflag:s9] =	ssyncset.done $0x0  }
0x16: {  	[sflag:s9] =	ssyncadd.s32 $0xFFFFFF80  }
0x17: {  	[tilespmem:s11], [sflag:$0x1] =	stream.indirect.gather [hbm4b:s3+s10], $0x80, s20, s10, $0xb8;
	[tilespmem:$0x8100] =	vst v63  }
0x18: {  	_ = 	snop  }
0x19: {  	[tilespmem:s12], [sflag:$0x2] =	stream.indirect.gather [hbm4b:s3+s10], $0x80, s10, s10, $0xb8;
	[tilespmem:$0x8100] =	vst v63  }
0x1a: {  	_ =	swait.ge [sflag:s13], $0x4000  }
0x1b: {  	[sflag:s13] =	ssyncset.done $0x0  }
0x1c: {  	[sflag:s13] =	ssyncadd.s32 $0xFFFFC000  }
0x1d: {  	_ =	swait.ge [sflag:s14], $0x4000  }
0x1e: {  	[sflag:s14] =	ssyncset.done $0x0  }
0x1f: {  	s18 =	simm.s32 $0x0;
	[sflag:s14] =	ssyncadd.s32 $0xFFFFC000  }
0x20: {  	v7 =	vld [tilespmem:s18+$0x4100]  }
0x21: {  	v11 =	vld [tilespmem:s18+$0x4110]  }
0x22: {  	v5 =	vld [tilespmem:s18+$0x4120]  }
0x23: {  	v4 =	vld [tilespmem:s18+$0x4130]  }
0x24: {  	v3 =	vld [tilespmem:s18+$0x4140]  }
0x25: {  	v2 =	vld [tilespmem:s18+$0x4150]  }
0x26: {  	v1 =	vld [tilespmem:s18+$0x4160]  }
0x27: {  	v0 =	vld [tilespmem:s18+$0x4170]  }
0x28: {  	v12 =	vld [tilespmem:s18+$0x100]  }
0x29: {  	v13 =	vld [tilespmem:s18+$0x110]  }
0x2a: {  	v10 =	vld [tilespmem:s18+$0x120]  }
0x2b: {  	v9 =	vld [tilespmem:s18+$0x130]  }
0x2c: {  	v8 =	vld [tilespmem:s18+$0x140]  }
0x2d: {  	v6 =	vld [tilespmem:s18+$0x150];
	v12 =	vadd.f32 v7, v12  }
0x2e: {  	s19 =	simm.s32 $0x200;
	v11 =	vadd.f32 v11, v13;
	v7 =	vld [tilespmem:s18+$0x160]  }
.LBB2_3:
0x2f: {  	s20 =	sshra.s32 s19, $0x2;
	p0 =	sne.s32 s19, $0xFE00;
	[tilespmem:s18+$0x100] =	vst v12;
	v5 =	vadd.f32 v5, v10;
	v10 =	vld [tilespmem:s18+$0x170]  }
0x30: {  	v12 =	vld [tilespmem:s20+$0x4100];
	[tilespmem:s18+$0x110] =	vst v11;
	v4 =	vadd.f32 v4, v9  }
0x31: {  	v11 =	vld [tilespmem:s20+$0x4110];
	[tilespmem:s18+$0x120] =	vst v5;
	v3 =	vadd.f32 v3, v8  }
0x32: {  	v5 =	vld [tilespmem:s20+$0x4120];
	[tilespmem:s18+$0x130] =	vst v4;
	v2 =	vadd.f32 v2, v6  }
0x33: {  	v4 =	vld [tilespmem:s20+$0x4130];
	[tilespmem:s18+$0x140] =	vst v3;
	v1 =	vadd.f32 v1, v7  }
0x34: {  	v3 =	vld [tilespmem:s20+$0x4140];
	[tilespmem:s18+$0x150] =	vst v2;
	v0 =	vadd.f32 v0, v10  }
0x35: {  	v2 =	vld [tilespmem:s20+$0x4150];
	[tilespmem:s18+$0x160] =	vst v1  }
0x36: {  	v1 =	vld [tilespmem:s20+$0x4160];
	[tilespmem:s18+$0x170] =	vst v0;
	s18 =	smov.u32 s20  }
0x37: {  	v0 =	vld [tilespmem:s18+$0x4170]  }
0x38: {  	v6 =	vld [tilespmem:s18+$0x100]  }
0x39: {  	v7 =	vld [tilespmem:s18+$0x110]  }
.Ltmp0:
0x3a: {  	v10 =	vld [tilespmem:s18+$0x120];
	(pc) =	sbr.rel @p0 .LBB2_3-.Ltmp0, $4  }
0x3b: {  	v9 =	vld [tilespmem:s18+$0x130]  }
0x3c: {  	v8 =	vld [tilespmem:s18+$0x140]  }
0x3d: {  	v12 =	vadd.f32 v12, v6;
	v6 =	vld [tilespmem:s18+$0x150]  }
0x3e: {  	s19 =	sadd.s32 $0x200, s19;
	v11 =	vadd.f32 v11, v7;
	v7 =	vld [tilespmem:s18+$0x160]  }
0x3f: {  	[tilespmem:s18+$0x100] =	vst v12;
	v5 =	vadd.f32 v5, v10;
	v63 =	vld [tilespmem:s18+$0x170]  }
0x40: {  	[tilespmem:s18+$0x110] =	vst v11;
	v4 =	vadd.f32 v4, v9  }
0x41: {  	[tilespmem:s18+$0x120] =	vst v5;
	v3 =	vadd.f32 v3, v8  }
0x42: {  	[tilespmem:s18+$0x130] =	vst v4;
	v2 =	vadd.f32 v2, v6  }
0x43: {  	[tilespmem:s18+$0x140] =	vst v3;
	v1 =	vadd.f32 v1, v7  }
0x44: {  	s16 =	sadd.s32 $0x1, s16;
	[tilespmem:s18+$0x150] =	vst v2;
	v0 =	vadd.f32 v0, v63  }
0x45: {  	s17 =	sshll.u32 s17, $0xB;
	p0 =	sne.s32 s16, $0x4F;
	[tilespmem:s18+$0x160] =	vst v1  }
.Ltmp1:
0x46: {  	s17 =	sadd.s32 s6, s17;
	[tilespmem:s18+$0x170] =	vst v0;
	(pc) =	sbr.rel @p0 .LBB2_2-.Ltmp1, $4  }
0x47: {  	[hbm4b:s17+s1] =	stream.linear.scatter [tilespmem:s11], [sflag:$0x3], $0x4000, $0x38;
	[tilespmem:$0x8100] =	vst v63  }
0x48: {  	_ =	swait.ge [sflag:s9], $0x4000  }
0x49: {  	[sflag:s9] =	ssyncset.done $0x0  }
0x4a: {  	[sflag:s9] =	ssyncadd.s32 $0xFFFFC000  }
0x4b: {  	s15 =	sadd.s32 $0x1, s15  }
0x4c: {  	p0 =	sne.s32 s15, s8  }
.Ltmp2:
0x4d: {  	_ = 	snop;
	(pc) =	sbr.rel @p0 .LBB2_1-.Ltmp2, $1  }
0x4e: {  	_ =	sdelay $0x3  }
0x4f: {  	_ =	sfence.sel $0x180000  }
0x50: {  	[bflag:$0x0] =	sbarrier.arrive $0xFFFF  }
0x51: {  	p0 =	sne.s32 s2, $0x0;
	_ =	strace $0x9000004D  }
0x52: {  	s0 =	sadd.s32 @!p0 $0x100000, s0;
	[bflag:$0x2] =	sbarrier.arrive $0xFFFF  }
0x53: {  	[sflag:s0] =	ssyncadd.tile.s32 @!p0 $0x1;
	_ =	shalt  }
.Lfunc_end2:
_tile_overlayer_lowered:
.L_overlay_start_2:
0x54: {  	(tag) =	ssettag $0x2  }
0x55: {  	s0 =	rddreg [dreg:$0x0];
	s2 =	stileid.u32  }
0x56: {  	s1 =	rddreg [dreg:$0x1];
	p0 =	sne.s32 s2, $0x0  }
0x57: {  	s3 =	rddreg [dreg:$0x2];
	[bflag:$0x3] =	sbarrier.arrive $0xFFFF;
	s2 =	simm.s32 @!p0 $0x1C03  }
0x58: {  	[timem:s3], [sflag:s2] =	dma.local @!p0 [hbm:s0], s1  }
0x59: {  	s0 =	simm.s32 @!p0 $0x3  }
0x5a: {  	_ =	swait.ge @!p0 [sflag:s0], s1  }
0x5b: {  	s1 =	ssub.s32 @!p0 $0x0, s1;
	[sflag:s0] =	ssyncset.done @!p0 $0x0  }
0x5c: {  	[sflag:s0] =	ssyncadd.s32 @!p0 s1  }
0x5d: {  	[bflag:$0x3] =	sbarrier.arrive $0xFFFF  }
0x5e: {  	_ =	shalt  }

// kernel: kernel.9.cloned.1.call-start
scs
__scs_entry_jumppad:
0x0: {  	(pc) =	sbr.rel $0x88, $3  }
0x1: {  	(tag) =	ssettag $0x0;
	lr =	simm.s32 $0x1  }
0x2: {  	[smem:$0x3F97] =	sst lr;
	_ =	strace $0xD0000000  }
0x3: {  	_ = 	snop  }
0x4: {  	_ = 	snop  }
0x5: {  	_ = 	snop  }
0x6: {  	_ = 	snop  }
0x7: {  	_ = 	snop  }
__scs_overlays_trampoline_lowered:
0x8: {  	[smem:$0x3FA6] =	sst s0  }
0x9: {  	[smem:$0x3FA7] =	sst s1  }
0xa: {  	[smem:$0x3FA8] =	sst s2  }
0xb: {  	[smem:$0x3FA9] =	sst s3  }
0xc: {  	[smem:$0x3FAA] =	sst s4  }
0xd: {  	[smem:$0x3FAB] =	sst s5  }
0xe: {  	[smem:$0x3FAC] =	sst s6  }
0xf: {  	[smem:$0x3FAD] =	sst s7  }
0x10: {  	[smem:$0x3FAE] =	sst s8  }
0x11: {  	[smem:$0x3FAF] =	sst s9;
	s0 =	simm.s32 @!p0 $0x0  }
0x12: {  	s1 =	sld [smem:$0x3F95];
	s0 =	simm.s32 @p0 $0x1  }
0x13: {  	[smem:$0x3FB0] =	sst s0;
	s0 =	simm.s32 @!p1 $0x0  }
0x14: {  	s2 =	sld [smem:$0x3F94];
	s0 =	simm.s32 @p1 $0x1  }
0x15: {  	[smem:$0x3FB1] =	sst s0;
	s0 =	simm.s32 @!p2 $0x0  }
0x16: {  	s3 =	sld [smem:$0x3FDB];
	s0 =	simm.s32 @p2 $0x1  }
0x17: {  	s4 =	simm.s32 $0x1BF5;
	[smem:$0x3FB3] =	sst s0  }
0x18: {  	s0 =	sld [smem:$0x3F96];
	_ =	swait.ge [sflag:s4], $0x0  }
0x19: {  	s7 =	sld [smem:$0x3F97]  }
0x1a: {  	s8 =	sadd.s32 $0xFFFFE003, lr  }
0x1b: {  	s9 =	sadd.s32 $0xFFFFFEF7, lr;
	s5 =	simm.s32 $0xFFFFFFFF;
	p2 =	slt.u32 s8, $0xFFFFF086  }
0x1c: {  	p1 =	slt.u32 s9, $0xF7A;
	s5 =	simm.s32 @!p2 $0x0  }
0x1d: {  	s5 =	simm.s32 @p1 $0x1;
	p0 =	seq.s32 s7, s2  }
0x1e: {  	s7 =	smul.u32 @!p0 $0xF7A, s2;
	p2 =	seq.s32 @!p0 s5, $0x0  }
0x1f: {  	s9 =	smul.u32 $0xF7A, s1;
	s8 =	simm.s32 @!p0 $0x1BF5;
	p2 =	por !p2, p0  }
0x20: {  	[sflag:s8] =	ssyncset.s32 @!p0 $0xFFFFF086;
	s6 =	sadd.s32 @!p0 s3, s7;
	s7 =	simm.s32 @!p0 $0x108  }
0x21: {  	s3 =	sadd.s32 s3, s9;
	s6 =	sadd.s32 @!p0 $0x88, s6;
	s7 =	simm.s32 @p2 $0x1082  }
0x22: {  	[simem:s7], [sflag:s8] =	dma.local @!p0 [hbm:s6], $0xF7A  }
0x23: {  	s9 =	sor.u32 $0xD0000000, s2;
	s6 =	simm.s32 $0x108;
	_ =	swait.ge @!p0 [sflag:s8], $0x0  }
0x24: {  	s3 =	sadd.s32 $0x88, s3;
	s6 =	simm.s32 @!p1 $0x1082;
	[sflag:s4] =	ssyncset.s32 $0xFFFFF086  }
0x25: {  	[simem:s6], [sflag:s4] =	dma.local [hbm:s3], $0xF7A  }
0x26: {  	[smem:$0x3F97] =	sst s1;
	(tag) =	ssettag s2;
	_ =	strace s9  }
0x27: {  	s1 =	sld [smem:$0x3FA7]  }
0x28: {  	s2 =	sld [smem:$0x3FA8]  }
0x29: {  	s4 =	sld [smem:$0x3FAA]  }
0x2a: {  	p0 =	seq.s32 s5, $0x0;
	s5 =	sld [smem:$0x3FAB]  }
0x2b: {  	s6 =	sld [smem:$0x3FAC]  }
0x2c: {  	s7 =	sld [smem:$0x3FAD]  }
0x2d: {  	s3 =	simm.s32 $0x108;
	s8 =	sld [smem:$0x3FAE]  }
0x2e: {  	s3 =	simm.s32 @!p0 $0x1082;
	s9 =	sld [smem:$0x3FAF]  }
0x2f: {  	lr =	sadd.s32 s0, s3;
	s0 =	sld [smem:$0x3FA6]  }
0x30: {  	s3 =	sld [smem:$0x3FA9]  }
0x31: {  	[smem:$0x3FB2] =	sst s10  }
0x32: {  	s10 =	sld [smem:$0x3FB0];
	_ =	sdelay $0x3  }
0x33: {  	p0 =	seq.s32 s10, $0x1;
	s10 =	sld [smem:$0x3FB2];
	_ =	sdelay $0x3  }
0x34: {  	[smem:$0x3FB2] =	sst s10  }
0x35: {  	s10 =	sld [smem:$0x3FB1];
	_ =	sdelay $0x3  }
0x36: {  	p1 =	seq.s32 s10, $0x1;
	s10 =	sld [smem:$0x3FB2];
	_ =	sdelay $0x3  }
0x37: {  	[smem:$0x3FB2] =	sst s10  }
0x38: {  	s10 =	sld [smem:$0x3FB3]  }
0x39: {  	_ = 	snop;
	(pc) =	sbr.ind lr, $3  }
0x3a: {  	_ = 	snop  }
0x3b: {  	_ = 	snop  }
0x3c: {  	p2 =	seq.s32 s10, $0x1;
	s10 =	sld [smem:$0x3FB2]  }
0x3d: {  	_ =	shalt  }
0x3e: {  	_ =	shalt  }
0x3f: {  	_ =	shalt  }
0x40: {  	_ =	shalt  }
0x41: {  	_ =	shalt  }
0x42: {  	_ =	shalt  }
0x43: {  	_ =	shalt  }
0x44: {  	_ =	shalt  }
0x45: {  	_ =	shalt  }
0x46: {  	_ =	shalt  }
0x47: {  	_ =	shalt  }
0x48: {  	_ =	shalt  }
0x49: {  	_ =	shalt  }
0x4a: {  	_ =	shalt  }
0x4b: {  	_ =	shalt  }
0x4c: {  	_ =	shalt  }
0x4d: {  	_ =	shalt  }
0x4e: {  	_ =	shalt  }
0x4f: {  	_ =	shalt  }
0x50: {  	_ =	shalt  }
0x51: {  	_ =	shalt  }
0x52: {  	_ =	shalt  }
0x53: {  	_ =	shalt  }
0x54: {  	_ =	shalt  }
0x55: {  	_ =	shalt  }
0x56: {  	_ =	shalt  }
0x57: {  	_ =	shalt  }
0x58: {  	_ =	shalt  }
0x59: {  	_ =	shalt  }
0x5a: {  	_ =	shalt  }
0x5b: {  	_ =	shalt  }
0x5c: {  	_ =	shalt  }
0x5d: {  	_ =	shalt  }
0x5e: {  	_ =	shalt  }
0x5f: {  	_ =	shalt  }
0x60: {  	_ =	shalt  }
0x61: {  	_ =	shalt  }
0x62: {  	_ =	shalt  }
0x63: {  	_ =	shalt  }
0x64: {  	_ =	shalt  }
0x65: {  	_ =	shalt  }
0x66: {  	_ =	shalt  }
0x67: {  	_ =	shalt  }
0x68: {  	_ =	shalt  }
0x69: {  	_ =	shalt  }
0x6a: {  	_ =	shalt  }
0x6b: {  	_ =	shalt  }
0x6c: {  	_ =	shalt  }
0x6d: {  	_ =	shalt  }
0x6e: {  	_ =	shalt  }
0x6f: {  	_ =	shalt  }
0x70: {  	_ =	shalt  }
0x71: {  	_ =	shalt  }
0x72: {  	_ =	shalt  }
0x73: {  	_ =	shalt  }
0x74: {  	_ =	shalt  }
0x75: {  	_ =	shalt  }
0x76: {  	_ =	shalt  }
0x77: {  	_ =	shalt  }
0x78: {  	_ =	shalt  }
0x79: {  	_ =	shalt  }
0x7a: {  	_ =	shalt  }
0x7b: {  	_ =	shalt  }
0x7c: {  	_ =	shalt  }
0x7d: {  	_ =	shalt  }
0x7e: {  	_ =	shalt  }
0x7f: {  	_ =	shalt  }
0x80: {  	_ =	shalt  }
0x81: {  	_ =	shalt  }
0x82: {  	_ =	shalt  }
0x83: {  	_ =	shalt  }
0x84: {  	_ =	shalt  }
0x85: {  	_ =	shalt  }
0x86: {  	_ =	shalt  }
0x87: {  	_ =	shalt  }
.Lfunc_end0:
.L_simem_size_0:
called_computation_lowered:
.L_overlay_start_0:
0x88: {  	s2 =	sld [smem:$0x3FD9]  }
0x89: {  	s3 =	sld [smem:$0x3FFE];
	_ =	sdelay $0x1  }
0x8a: {  	s1 =	srdreg.scid  }
0x8b: {  	s0 =	sand.u32 $0x1, s1  }
0x8c: {  	s16 =	sshll.u32 s0, $0xA;
	s2 =	sadd.s32 s3, s2  }
0x8d: {  	s2 =	sadd.s32 s2, s16  }
0x8e: {  	[smem:$0x3FBE] =	sst s2  }
0x8f: {  	_ = 	snop  }
0x90: {  	(tm) =	ssettm $0x1  }
0x91: {  	s17 =	sld [smem:$0x3FFB];
	_ =	sdelay $0x3  }
0x92: {  	_ =	strace s17  }
0x93: {  	s2 =	sld [smem:$0x3FFC];
	_ =	sdelay $0x3  }
0x94: {  	_ =	strace s2  }
0x95: {  	s2 =	sld [smem:$0x3FFD];
	_ =	sdelay $0x3  }
0x96: {  	_ =	strace s2  }
0x97: {  	_ =	strace $0x8FFFFFFF  }
0x98: {  	s18 =	sld [smem:$0x3FDB];
	_ =	sdelay $0x1  }
0x99: {  	s19 =	simm.s32 $_scs_section_size  }
0x9a: {  	s4 =	simm.s32 $_size__tile_overlayer_lowered;
	s5 =	simm.s32 $_tile_overlayer_lowered  }
0x9b: {  	s22 =	simm.s32 $0x1BFF;
	s21 =	sshll.u32 s5, $0x1;
	s2 =	sadd.s32 s19, s18  }
0x9c: {  	s6 =	simm.s32 $0x0;
	s20 =	sshll.u32 s4, $0x1;
	s4 =	sadd.s32 s21, s2  }
0x9d: {  	[timem:s6], [sflag:s22] =	dma.local [hbm:s4], s20  }
0x9e: {  	_ =	swait.ge [sflag:s22], s20  }
0x9f: {  	s3 =	ssub.s32 $0x0, s20;
	[sflag:s22] =	ssyncset.done $0x0  }
0xa0: {  	[sflag:s22] =	ssyncadd.s32 s3;
	_ =	sdelay $0x1  }
0xa1: {  	s23 =	simm.s32 $0x1B8B  }
0xa2: {  	_ =	swait.ge [sflag:s23], $0x1  }
0xa3: {  	[sflag:s23] =	ssyncset.done $0x0  }
0xa4: {  	s25 =	simm.s32 $0x1B8E;
	s24 =	sld [smem:$0x3FFE];
	[sflag:s23] =	ssyncadd.s32 $0xFFFFFFFF  }
0xa5: {  	s26 =	simm.s32 $execute0_lowered;
	[smem:$0x3FD2] =	sst s25  }
0xa6: {  	s4 =	sshll.u32 s26, $0x1;
	_ =	strace $0x80000046;
	[dreg:$0x1] =	wrdreg $0xFFFFFFFF  }
0xa7: {  	s28 =	simm.s32 $_size_execute0_lowered;
	s2 =	sadd.s32 s2, s4;
	[dreg:$0x0] =	wrdreg $0x0  }
0xa8: {  	s4 =	sshll.u32 s28, $0x1;
	[dreg:$0x2] =	wrdreg s2  }
0xa9: {  	[dreg:$0x3] =	wrdreg s4  }
0xaa: {  	[dreg:$0x4] =	wrdreg $0xC0  }
0xab: {  	_ =	task [dreg:s6], $0x5FFFF  }
0xac: {  	[dreg:$0x1] =	wrdreg $0xFFFFFFFF  }
0xad: {  	[dreg:$0x0] =	wrdreg $0x60  }
0xae: {  	[dreg:$0x2] =	wrdreg s24  }
0xaf: {  	[dreg:$0x3] =	wrdreg $0x41000  }
0xb0: {  	[dreg:$0x4] =	wrdreg $0x9  }
0xb1: {  	_ =	task.clear_ibuf [dreg:s6], $0x5FFFF;
	_ =	strace $0x90000046  }
0xb2: {  	s29 =	simm.s32 $0x9;
	_ =	strace $0x80000048  }
0xb3: {  	_ =	swait.ge [sflag:s29], $0x1  }
0xb4: {  	[sflag:s29] =	ssyncadd.s32 $0xFFFFFFFF  }
0xb5: {  	_ =	strace $0x90000048  }
0xb6: {  	_ =	sfence  }
0xb7: {  	s30 =	sld [smem:$0x0];
	_ =	sdelay $0x2  }
0xb8: {  	s31 =	sshll.u32 s1, $0xD;
	s1 =	sshrl.u32 s1, $0x2  }
0xb9: {  	s3 =	sand.u32 $0x4000, s31;
	s1 =	sadd.s32 s1, s30  }
0xba: {  	s0 =	sor.u32 s3, s0;
	s1 =	sshll.u32 s1, $0x11  }
0xbb: {  	s0 =	sor.u32 s1, s0  }
0xbc: {  	s0 =	sadd.s32 $0x8F2B, s0  }
0xbd: {  	[sflag:s0] =	ssyncadd.remote.s32 $0x1  }
0xbe: {  	_ =	sfence.sel $0xFFFF  }
0xbf: {  	[dreg:$0x0] =	wrdreg $0xFFFFFFFF;
	(pc) =	sbr.abs _section_cstart, $3  }
0xc0: {  	[dreg:$0x1] =	wrdreg $0xFFFFFFFF  }
0xc1: {  	_ =	task.clear_ibuf [dreg:s6], $0x2FFFF;
	_ =	strace $0x9FFFFFFF  }
0xc2: {  	(tm) =	ssettm $0x7FFFFFFF  }
0xc3: {  	_ =	shalt  }
tec
execute0_lowered:
.L_overlay_start_1:
0x0: {  	(tag) =	ssettag $0x1  }
0x1: {  	s5 =	rddreg [dreg:$0x0]  }
0x2: {  	s2 =	rddreg [dreg:$0x1]  }
0x3: {  	s0 =	rddreg [dreg:$0x2]  }
0x4: {  	s3 =	simm.s32 $0x0;
	s1 =	stileid.u32;
	s7 =	srdreg.scid  }
0x5: {  	s21 =	simm.s32 $0x1;
	s22 =	simm.s32 $0x0;
	s6 =	smul.u32 $0x9E0, s1  }
0x6: {  	[smem:$0x7FF] =	sst s3;
	s4 =	sadd.s32 $0x16600, s5;
	s24 =	smul.u32 $0x50000, s1  }
0x7: {  	s12 =	sand.u32 $0x1, s7;
	s9 =	smul.u32 $0x14000, s1;
	s15 =	sadd.s32 $0x3E600, s5  }
0x8: {  	_ =	strace $0x80000047;
	s25 =	ssub.s32 $0x2, s12;
	s18 =	smul.u32 $0x140000, s12  }
0x9: {  	s28 =	smul.u32 $0x4F0, s12;
	s14 =	sadd.s32 s6, s5;
	s26 =	sshrl.u32 s25, $0x1  }
0xa: {  	s7 =	sshrl.u32 s24, $0x2;
	s10 =	sadd.s32 $0x4000, s9;
	s13 =	sadd.s32 $0x8000, s9  }
0xb: {  	s17 =	sadd.s32 $0xC000, s9;
	s19 =	sadd.s32 $0x10000, s9;
	s16 =	ssub.s32 s25, s26  }
0xc: {  	s5 =	sadd.s32 s7, s2;
	s6 =	sadd.s32 s10, s2;
	s7 =	sadd.s32 s13, s2  }
0xd: {  	s8 =	sadd.s32 s17, s2;
	s11 =	sadd.s32 s9, s18;
	s10 =	sadd.s32 s18, s10  }
0xe: {  	s9 =	sadd.s32 s19, s2;
	s13 =	sadd.s32 s18, s13;
	s17 =	sadd.s32 s18, s17  }
0xf: {  	s30 =	sadd.s32 s18, s19;
	s31 =	sadd.s32 s28, s14;
	s18 =	simm.s32 $0x100  }
0x10: {  	s19 =	simm.s32 $0x2;
	s11 =	sshrl.u32 s11, $0x3;
	s20 =	sshrl.u32 s10, $0x3  }
0x11: {  	s13 =	sshrl.u32 s13, $0x3;
	s29 =	sshrl.u32 s17, $0x3;
	s17 =	sshrl.u32 s30, $0x3  }
0x12: {  	s10 =	sadd.s32 s15, s11;
	s11 =	sadd.s32 s15, s20;
	s12 =	sadd.s32 s15, s13  }
0x13: {  	s13 =	sadd.s32 s15, s29;
	s14 =	sadd.s32 s15, s17;
	s15 =	smax.u32 s16, $0x1  }
0x14: {  	v0 =	vimm.f32 $0.0e+00;
	s16 =	sadd.s32 $0xC800, s31;
	s17 =	sadd.s32 $0x2A00, s31;
	s20 =	simm.s32 $0x80  }
.LBB2_1:
0x15: {  	s23 =	simm.s32 $0x0;
	s24 =	simm.s32 $0x200  }
.LBB2_2:
0x16: {  	p0 =	sne.s32 s24, $0xFE00;
	[tilespmem:s23+$0x170] =	vst v0  }
0x17: {  	[tilespmem:s23+$0x100] =	vst v0  }
0x18: {  	[tilespmem:s23+$0x110] =	vst v0  }
.Ltmp0:
0x19: {  	[tilespmem:s23+$0x120] =	vst v0;
	(pc) =	sbr.rel @p0 .LBB2_2-.Ltmp0, $4  }
0x1a: {  	[tilespmem:s23+$0x130] =	vst v0  }
0x1b: {  	[tilespmem:s23+$0x140] =	vst v0  }
0x1c: {  	[tilespmem:s23+$0x150] =	vst v0  }
0x1d: {  	[tilespmem:s23+$0x160] =	vst v0;
	s23 =	sshra.s32 s24, $0x2;
	s24 =	sadd.s32 $0x200, s24  }
0x1e: {  	[tilespmem:s23+$0x170] =	vst v0  }
0x1f: {  	[tilespmem:s23+$0x100] =	vst v0  }
0x20: {  	[tilespmem:s23+$0x110] =	vst v0  }
0x21: {  	[tilespmem:s23+$0x120] =	vst v0  }
0x22: {  	[tilespmem:s23+$0x130] =	vst v0  }
0x23: {  	[tilespmem:s23+$0x140] =	vst v0  }
0x24: {  	[tilespmem:s23+$0x150] =	vst v0  }
0x25: {  	[tilespmem:s23+$0x160] =	vst v0  }
0x26: {  	[spmem:s5] =	stream.linear.scatter [tilespmem:s18], [sflag:$0x2], $0x4000, $0x38;
	[tilespmem:$0x18100] =	vst v63  }
0x27: {  	_ =	swait.ge [sflag:s19], $0x4000  }
0x28: {  	[sflag:s19] =	ssyncset.done $0x0  }
0x29: {  	[sflag:s19] =	ssyncadd.s32 $0xFFFFC000  }
0x2a: {  	[spmem:s6] =	stream.linear.scatter [tilespmem:s18], [sflag:$0x2], $0x4000, $0x38;
	[tilespmem:$0x18100] =	vst v63  }
0x2b: {  	_ =	swait.ge [sflag:s19], $0x4000  }
0x2c: {  	[sflag:s19] =	ssyncset.done $0x0  }
0x2d: {  	[sflag:s19] =	ssyncadd.s32 $0xFFFFC000  }
0x2e: {  	[spmem:s7] =	stream.linear.scatter [tilespmem:s18], [sflag:$0x2], $0x4000, $0x38;
	[tilespmem:$0x18100] =	vst v63  }
0x2f: {  	_ =	swait.ge [sflag:s19], $0x4000  }
0x30: {  	[sflag:s19] =	ssyncset.done $0x0  }
0x31: {  	[sflag:s19] =	ssyncadd.s32 $0xFFFFC000  }
0x32: {  	[spmem:s8] =	stream.linear.scatter [tilespmem:s18], [sflag:$0x2], $0x4000, $0x38;
	[tilespmem:$0x18100] =	vst v63  }
0x33: {  	_ =	swait.ge [sflag:s19], $0x4000  }
0x34: {  	[sflag:s19] =	ssyncset.done $0x0  }
0x35: {  	[sflag:s19] =	ssyncadd.s32 $0xFFFFC000  }
0x36: {  	[spmem:s9] =	stream.linear.scatter [tilespmem:s18], [sflag:$0x2], $0x4000, $0x38;
	[tilespmem:$0x18100] =	vst v63  }
0x37: {  	_ =	swait.ge [sflag:s19], $0x4000  }
0x38: {  	[sflag:s19] =	ssyncset.done $0x0  }
0x39: {  	[sflag:s19] =	ssyncadd.s32 $0xFFFFC000  }
0x3a: {  	s30 =	sadd.s32 $0x0, s16;
	[bflag:$0x0] =	sbarrier.arrive $0xFFFF  }
0x3b: {  	[tilespmem:s3], [sflag:$0x2] =	stream.linear.gather [hbm4b:s30+s3], $0x80, $0x38;
	[tilespmem:$0x18100] =	vst v63  }
0x3c: {  	_ =	swait.ge [sflag:s19], $0x80  }
0x3d: {  	[sflag:s19] =	ssyncset.done $0x0  }
0x3e: {  	s31 =	sadd.s32 $0x0, s17;
	[sflag:s19] =	ssyncadd.s32 $0xFFFFFF80  }
0x3f: {  	[tilespmem:s20], [sflag:$0x2] =	stream.linear.gather [hbm4b:s31+s3], $0x80, $0x38;
	[tilespmem:$0x18100] =	vst v63  }
0x40: {  	_ =	swait.ge [sflag:s19], $0x80  }
0x41: {  	[sflag:s19] =	ssyncset.done $0x0  }
0x42: {  	[sflag:s19] =	ssyncadd.s32 $0xFFFFFF80  }
0x43: {  	[tilespmem:s18], [sflag:$0x1] =	stream.indirect.gather [hbm4b:s4+s20], $0x80, s3, s20, $0xb8;
	[tilespmem:$0x18100] =	vst v63  }
0x44: {  	_ =	swait.ge [sflag:s21], $0x4000  }
0x45: {  	[sflag:s21] =	ssyncset.done $0x0  }
0x46: {  	[sflag:s21] =	ssyncadd.s32 $0xFFFFC000  }
0x47: {  	[spmem:s2] =	stream.indirect.scatter.add.f32 [tilespmem:s18], [sflag:$0x2], $0x80, s20, s20, $0xb8;
	[tilespmem:$0x18100] =	vst v63  }
0x48: {  	_ =	swait.ge [sflag:s19], $0x4000  }
0x49: {  	s23 =	simm.s32 $0x10;
	s24 =	simm.s32 $0x20;
	[sflag:s19] =	ssyncset.done $0x0  }
.LBB2_4:
0x4a: {  	s25 =	sadd.s32 s23, s16  }
0x4b: {  	[sflag:s19] =	ssyncadd.s32 $0xFFFFC000;
	s26 =	smov.u32 s24;
	s28 =	sadd.s32 $0x10, s24  }
0x4c: {  	[tilespmem:s3], [sflag:$0x2] =	stream.linear.gather [hbm4b:s25+s3], $0x80, $0x38;
	[tilespmem:$0x18100] =	vst v63  }
0x4d: {  	p0 =	sne.s32 s24, $0x4E0;
	_ =	swait.ge [sflag:s19], $0x80  }
0x4e: {  	[sflag:s19] =	ssyncset.done $0x0  }
0x4f: {  	s24 =	sadd.s32 s23, s17;
	s23 =	smov.u32 s26;
	[sflag:s19] =	ssyncadd.s32 $0xFFFFFF80  }
0x50: {  	[tilespmem:s20], [sflag:$0x2] =	stream.linear.gather [hbm4b:s24+s3], $0x80, $0x38;
	[tilespmem:$0x18100] =	vst v63  }
0x51: {  	_ =	swait.ge [sflag:s19], $0x80  }
0x52: {  	[sflag:s19] =	ssyncset.done $0x0  }
0x53: {  	[sflag:s19] =	ssyncadd.s32 $0xFFFFFF80  }
0x54: {  	[tilespmem:s18], [sflag:$0x1] =	stream.indirect.gather [hbm4b:s4+s20], $0x80, s3, s20, $0xb8;
	[tilespmem:$0x18100] =	vst v63  }
0x55: {  	_ =	swait.ge [sflag:s21], $0x4000  }
.Ltmp1:
0x56: {  	[sflag:s21] =	ssyncset.done $0x0;
	(pc) =	sbr.rel @p0 .LBB2_4-.Ltmp1, $4  }
0x57: {  	[sflag:s21] =	ssyncadd.s32 $0xFFFFC000  }
0x58: {  	[spmem:s2] =	stream.indirect.scatter.add.f32 [tilespmem:s18], [sflag:$0x2], $0x80, s20, s20, $0xb8;
	[tilespmem:$0x18100] =	vst v63  }
0x59: {  	_ =	swait.ge [sflag:s19], $0x4000  }
0x5a: {  	s24 =	smov.u32 s28;
	[sflag:s19] =	ssyncset.done $0x0  }
0x5b: {  	s24 =	sadd.s32 s23, s16;
	[sflag:s19] =	ssyncadd.s32 $0xFFFFC000  }
0x5c: {  	[tilespmem:s3], [sflag:$0x2] =	stream.linear.gather [hbm4b:s24+s3], $0x80, $0x38;
	[tilespmem:$0x18100] =	vst v63  }
0x5d: {  	_ =	swait.ge [sflag:s19], $0x80  }
0x5e: {  	[sflag:s19] =	ssyncset.done $0x0  }
0x5f: {  	s31 =	sadd.s32 s23, s17;
	[sflag:s19] =	ssyncadd.s32 $0xFFFFFF80  }
0x60: {  	[tilespmem:s20], [sflag:$0x2] =	stream.linear.gather [hbm4b:s31+s3], $0x80, $0x38;
	[tilespmem:$0x18100] =	vst v63  }
0x61: {  	_ =	swait.ge [sflag:s19], $0x80  }
0x62: {  	[sflag:s19] =	ssyncset.done $0x0  }
0x63: {  	[sflag:s19] =	ssyncadd.s32 $0xFFFFFF80  }
0x64: {  	[tilespmem:s18], [sflag:$0x1] =	stream.indirect.gather [hbm4b:s4+s20], $0x80, s3, s20, $0xb8;
	[tilespmem:$0x18100] =	vst v63  }
0x65: {  	_ =	swait.ge [sflag:s21], $0x4000  }
0x66: {  	[sflag:s21] =	ssyncset.done $0x0  }
0x67: {  	[sflag:s21] =	ssyncadd.s32 $0xFFFFC000  }
0x68: {  	[spmem:s2] =	stream.indirect.scatter.add.f32 [tilespmem:s18], [sflag:$0x2], $0x80, s20, s20, $0xb8;
	[tilespmem:$0x18100] =	vst v63  }
0x69: {  	_ =	swait.ge [sflag:s19], $0x4000  }
0x6a: {  	[sflag:s19] =	ssyncset.done $0x0  }
0x6b: {  	[sflag:s19] =	ssyncadd.s32 $0xFFFFC000  }
0x6c: {  	[bflag:$0x0] =	sbarrier.arrive $0xFFFF  }
0x6d: {  	[tilespmem:s18], [sflag:$0x2] =	stream.linear.gather [spmem:s5], $0x4000, $0x38;
	[tilespmem:$0x18100] =	vst v63  }
0x6e: {  	_ =	swait.ge [sflag:s19], $0x4000  }
0x6f: {  	[sflag:s19] =	ssyncset.done $0x0  }
0x70: {  	[sflag:s19] =	ssyncadd.s32 $0xFFFFC000  }
0x71: {  	[hbm4b:s10+s3] =	stream.linear.scatter [tilespmem:s18], [sflag:$0x2], $0x4000, $0x38;
	[tilespmem:$0x18100] =	vst v63  }
0x72: {  	_ =	swait.ge [sflag:s19], $0x4000  }
0x73: {  	[sflag:s19] =	ssyncset.done $0x0  }
0x74: {  	[sflag:s19] =	ssyncadd.s32 $0xFFFFC000  }
0x75: {  	[tilespmem:s18], [sflag:$0x2] =	stream.linear.gather [spmem:s6], $0x4000, $0x38;
	[tilespmem:$0x18100] =	vst v63  }
0x76: {  	_ =	swait.ge [sflag:s19], $0x4000  }
0x77: {  	[sflag:s19] =	ssyncset.done $0x0  }
0x78: {  	[sflag:s19] =	ssyncadd.s32 $0xFFFFC000  }
0x79: {  	[hbm4b:s11+s3] =	stream.linear.scatter [tilespmem:s18], [sflag:$0x2], $0x4000, $0x38;
	[tilespmem:$0x18100] =	vst v63  }
0x7a: {  	_ =	swait.ge [sflag:s19], $0x4000  }
0x7b: {  	[sflag:s19] =	ssyncset.done $0x0  }
0x7c: {  	[sflag:s19] =	ssyncadd.s32 $0xFFFFC000  }
0x7d: {  	[tilespmem:s18], [sflag:$0x2] =	stream.linear.gather [spmem:s7], $0x4000, $0x38;
	[tilespmem:$0x18100] =	vst v63  }
0x7e: {  	_ =	swait.ge [sflag:s19], $0x4000  }
0x7f: {  	[sflag:s19] =	ssyncset.done $0x0  }
0x80: {  	[sflag:s19] =	ssyncadd.s32 $0xFFFFC000  }
0x81: {  	[hbm4b:s12+s3] =	stream.linear.scatter [tilespmem:s18], [sflag:$0x2], $0x4000, $0x38;
	[tilespmem:$0x18100] =	vst v63  }
0x82: {  	_ =	swait.ge [sflag:s19], $0x4000  }
0x83: {  	[sflag:s19] =	ssyncset.done $0x0  }
0x84: {  	[sflag:s19] =	ssyncadd.s32 $0xFFFFC000  }
0x85: {  	[tilespmem:s18], [sflag:$0x2] =	stream.linear.gather [spmem:s8], $0x4000, $0x38;
	[tilespmem:$0x18100] =	vst v63  }
0x86: {  	_ =	swait.ge [sflag:s19], $0x4000  }
0x87: {  	[sflag:s19] =	ssyncset.done $0x0  }
0x88: {  	[sflag:s19] =	ssyncadd.s32 $0xFFFFC000  }
0x89: {  	[hbm4b:s13+s3] =	stream.linear.scatter [tilespmem:s18], [sflag:$0x2], $0x4000, $0x38;
	[tilespmem:$0x18100] =	vst v63  }
0x8a: {  	_ =	swait.ge [sflag:s19], $0x4000  }
0x8b: {  	[sflag:s19] =	ssyncset.done $0x0  }
0x8c: {  	[sflag:s19] =	ssyncadd.s32 $0xFFFFC000  }
0x8d: {  	[tilespmem:s18], [sflag:$0x2] =	stream.linear.gather [spmem:s9], $0x4000, $0x38;
	[tilespmem:$0x18100] =	vst v63  }
0x8e: {  	s22 =	sadd.s32 $0x1, s22;
	_ =	swait.ge [sflag:s19], $0x4000  }
0x8f: {  	p0 =	sne.s32 s22, s15;
	[sflag:s19] =	ssyncset.done $0x0  }
.Ltmp2:
0x90: {  	[sflag:s19] =	ssyncadd.s32 $0xFFFFC000;
	(pc) =	sbr.rel @p0 .LBB2_1-.Ltmp2, $4  }
0x91: {  	[hbm4b:s14+s3] =	stream.linear.scatter [tilespmem:s18], [sflag:$0x2], $0x4000, $0x38;
	[tilespmem:$0x18100] =	vst v63  }
0x92: {  	_ =	swait.ge [sflag:s19], $0x4000  }
0x93: {  	[sflag:s19] =	ssyncset.done $0x0  }
0x94: {  	[sflag:s19] =	ssyncadd.s32 $0xFFFFC000  }
0x95: {  	_ =	sfence.sel $0x180000  }
0x96: {  	[bflag:$0x0] =	sbarrier.arrive $0xFFFF  }
0x97: {  	p0 =	sne.s32 s1, $0x0;
	_ =	strace $0x90000047  }
0x98: {  	s0 =	sadd.s32 @!p0 $0x100000, s0;
	[bflag:$0x2] =	sbarrier.arrive $0xFFFF  }
0x99: {  	[sflag:s0] =	ssyncadd.tile.s32 @!p0 $0x1;
	_ =	shalt  }
.Lfunc_end2:
_tile_overlayer_lowered:
.L_overlay_start_2:
0x9a: {  	(tag) =	ssettag $0x2  }
0x9b: {  	s0 =	rddreg [dreg:$0x0];
	s2 =	stileid.u32  }
0x9c: {  	s1 =	rddreg [dreg:$0x1];
	p0 =	sne.s32 s2, $0x0  }
0x9d: {  	s3 =	rddreg [dreg:$0x2];
	[bflag:$0x3] =	sbarrier.arrive $0xFFFF;
	s2 =	simm.s32 @!p0 $0x1C02  }
0x9e: {  	[timem:s3], [sflag:s2] =	dma.local @!p0 [hbm:s0], s1  }
0x9f: {  	s0 =	simm.s32 @!p0 $0x2  }
0xa0: {  	_ =	swait.ge @!p0 [sflag:s0], s1  }
0xa1: {  	s1 =	ssub.s32 @!p0 $0x0, s1;
	[sflag:s0] =	ssyncset.done @!p0 $0x0  }
0xa2: {  	[sflag:s0] =	ssyncadd.s32 @!p0 s1  }
0xa3: {  	[bflag:$0x3] =	sbarrier.arrive $0xFFFF  }
0xa4: {  	_ =	shalt  }

</sc_bundles>
